<compile_context>
chip_gen: v7x
topology: tpu7x:2x2x1
jax: 0.10.2.dev20260603
libtpu: 0.0.44.dev20260713+nightly
codegen_flags: <defaults>
</compile_context>

<pallas_src>
import math
import jax
import jax.numpy as jnp
from jax import lax
from jax.experimental import pallas as pl
from jax.experimental.pallas import tpu as pltpu

_NUM_ANCHORS_PER_LEVEL = [160000, 40000]
_PRE_NMS_TOP_N = 1000
_POST_NMS_TOP_N = 1000
_NMS_THRESH = 0.7
_MIN_SIZE = 0.001
_IMG_H = 800.0
_IMG_W = 800.0
_BBOX_XFORM_CLIP = math.log(1000.0 / 16)
_NCAND = 2000
_NPAD = 2048
_ROWS = 16
_LANES = 128
_LVL_OFFSET = 801.0


def _nms_pipeline_kernel(obj_ref, lvl_ref, deltas_ref, anchors_ref,
                         boxes_ref, keep_ref):
    a = anchors_ref[0]
    d = deltas_ref[0]
    obj = obj_ref[0]
    lvl = lvl_ref[0]

    widths = a[2] - a[0]
    heights = a[3] - a[1]
    ctr_x = a[0] + 0.5 * widths
    ctr_y = a[1] + 0.5 * heights
    dx = d[0]
    dy = d[1]
    dw = jnp.minimum(d[2], _BBOX_XFORM_CLIP)
    dh = jnp.minimum(d[3], _BBOX_XFORM_CLIP)
    pred_ctr_x = dx * widths + ctr_x
    pred_ctr_y = dy * heights + ctr_y
    pred_w = jnp.exp(dw) * widths
    pred_h = jnp.exp(dh) * heights

    x1 = jnp.clip(pred_ctr_x - 0.5 * pred_w, 0.0, _IMG_W)
    y1 = jnp.clip(pred_ctr_y - 0.5 * pred_h, 0.0, _IMG_H)
    x2 = jnp.clip(pred_ctr_x + 0.5 * pred_w, 0.0, _IMG_W)
    y2 = jnp.clip(pred_ctr_y + 0.5 * pred_h, 0.0, _IMG_H)

    ws = x2 - x1
    hs = y2 - y1
    probs = jax.nn.sigmoid(obj)
    valid = (ws >= _MIN_SIZE) & (hs >= _MIN_SIZE) & (probs >= 0.0)

    off = lvl * _LVL_OFFSET
    nx1 = x1 + off
    ny1 = y1 + off
    nx2 = x2 + off
    ny2 = y2 + off
    areas = ws * hs

    flatidx = (lax.broadcasted_iota(jnp.int32, (_ROWS, _LANES), 0) * _LANES
               + lax.broadcasted_iota(jnp.int32, (_ROWS, _LANES), 1))
    keep0 = jnp.where(valid, 1.0, 0.0)

    def body(i, keep):
        onehot = flatidx == i
        ki = jnp.sum(jnp.where(onehot, keep, 0.0))
        bx1 = jnp.sum(jnp.where(onehot, nx1, 0.0))
        by1 = jnp.sum(jnp.where(onehot, ny1, 0.0))
        bx2 = jnp.sum(jnp.where(onehot, nx2, 0.0))
        by2 = jnp.sum(jnp.where(onehot, ny2, 0.0))
        ai = jnp.sum(jnp.where(onehot, areas, 0.0))
        xx1 = jnp.maximum(bx1, nx1)
        yy1 = jnp.maximum(by1, ny1)
        xx2 = jnp.minimum(bx2, nx2)
        yy2 = jnp.minimum(by2, ny2)
        inter = jnp.maximum(xx2 - xx1, 0.0) * jnp.maximum(yy2 - yy1, 0.0)
        iou = inter / (ai + areas - inter + 1e-9)
        sup = (iou > _NMS_THRESH) & (flatidx > i) & (ki > 0.0)
        return jnp.where(sup, 0.0, keep)

    keep = lax.fori_loop(0, _NCAND, body, keep0)

    keep_ref[0] = keep
    boxes_ref[0, 0] = x1
    boxes_ref[0, 1] = y1
    boxes_ref[0, 2] = x2
    boxes_ref[0, 3] = y2


def kernel(objectness, pred_bbox_deltas, anchors):
    objectness = lax.stop_gradient(objectness)
    deltas = lax.stop_gradient(pred_bbox_deltas)
    nimg = objectness.shape[0]

    top_idx = []
    off = 0
    for n in _NUM_ANCHORS_PER_LEVEL:
        k = min(_PRE_NMS_TOP_N, n)
        _, idx = lax.top_k(objectness[:, off:off + n], k)
        top_idx.append(idx + off)
        off += n
    top_idx = jnp.concatenate(top_idx, axis=1)
    bidx = jnp.arange(nimg)[:, None]

    obj = objectness[bidx, top_idx]
    lvl = (top_idx >= _NUM_ANCHORS_PER_LEVEL[0]).astype(jnp.float32)
    dts = deltas[bidx, top_idx]
    anc = anchors[top_idx]

    pad = _NPAD - _NCAND
    obj = jnp.pad(obj, ((0, 0), (0, pad)), constant_values=-1e30)
    lvl = jnp.pad(lvl, ((0, 0), (0, pad)))
    dts = jnp.pad(dts, ((0, 0), (0, pad), (0, 0)))
    anc = jnp.pad(anc, ((0, 0), (0, pad), (0, 0)))

    order = jnp.argsort(-obj, axis=1)
    obj_s = jnp.take_along_axis(obj, order, axis=1)
    lvl_s = jnp.take_along_axis(lvl, order, axis=1)
    dts_s = jnp.take_along_axis(dts, order[..., None], axis=1)
    anc_s = jnp.take_along_axis(anc, order[..., None], axis=1)

    obj_v = obj_s.reshape(nimg, _ROWS, _LANES)
    lvl_v = lvl_s.reshape(nimg, _ROWS, _LANES)
    dts_v = dts_s.transpose(0, 2, 1).reshape(nimg, 4, _ROWS, _LANES)
    anc_v = anc_s.transpose(0, 2, 1).reshape(nimg, 4, _ROWS, _LANES)

    boxes_v, keep_v = pl.pallas_call(
        _nms_pipeline_kernel,
        grid=(nimg,),
        in_specs=[
            pl.BlockSpec((1, _ROWS, _LANES), lambda i: (i, 0, 0)),
            pl.BlockSpec((1, _ROWS, _LANES), lambda i: (i, 0, 0)),
            pl.BlockSpec((1, 4, _ROWS, _LANES), lambda i: (i, 0, 0, 0)),
            pl.BlockSpec((1, 4, _ROWS, _LANES), lambda i: (i, 0, 0, 0)),
        ],
        out_specs=[
            pl.BlockSpec((1, 4, _ROWS, _LANES), lambda i: (i, 0, 0, 0)),
            pl.BlockSpec((1, _ROWS, _LANES), lambda i: (i, 0, 0)),
        ],
        out_shape=[
            jax.ShapeDtypeStruct((nimg, 4, _ROWS, _LANES), jnp.float32),
            jax.ShapeDtypeStruct((nimg, _ROWS, _LANES), jnp.float32),
        ],
    )(obj_v, lvl_v, dts_v, anc_v)

    boxes_s = boxes_v.reshape(nimg, 4, _NPAD).transpose(0, 2, 1)
    keep = keep_v.reshape(nimg, _NPAD) > 0.5

    rank = jnp.cumsum(keep.astype(jnp.int32), axis=1) - 1
    dest = jnp.where(keep & (rank < _POST_NMS_TOP_N), rank, _POST_NMS_TOP_N)
    out = jnp.zeros((nimg, _POST_NMS_TOP_N + 1, 4), jnp.float32)
    out = out.at[bidx, dest].set(boxes_s, mode="drop")
    return out[:, :_POST_NMS_TOP_N]

# --- scband reference (transcript-rebuilt; emitter-appended) ---
"""Pipeline reference for scband-region-proposal-network-17643725652127 (READ-ONLY COPY).

The authoritative reference and input builder live on the scoring server;
editing this copy changes nothing except your own understanding.
"""

import math
import jax, jax.numpy as jnp
import numpy as np

NUM_IMAGES = 2
NUM_ANCHORS_PER_LEVEL = [160000, 40000]
TOTAL_ANCHORS = 200000
PRE_NMS_TOP_N = 1000
POST_NMS_TOP_N = 1000
NMS_THRESH = 0.7
SCORE_THRESH = 0.0
MIN_SIZE = 0.001
IMG_H, IMG_W = 800, 800
BBOX_XFORM_CLIP = math.log(1000.0 / 16)


def setup_inputs(seed: int = 0):
    key = jax.random.key(seed)
    k1, k2, k3, k4 = jax.random.split(key, 4)
    objectness = jax.random.normal(k1, (NUM_IMAGES, TOTAL_ANCHORS), dtype=jnp.float32)
    pred_bbox_deltas = jax.random.normal(k2, (NUM_IMAGES, TOTAL_ANCHORS, 4), dtype=jnp.float32) * 0.1
    ctr = jax.random.uniform(k3, (TOTAL_ANCHORS, 2), minval=0.0, maxval=float(IMG_W), dtype=jnp.float32)
    wh = jax.random.uniform(k4, (TOTAL_ANCHORS, 2), minval=16.0, maxval=256.0, dtype=jnp.float32)
    anchors = jnp.concatenate([ctr - 0.5 * wh, ctr + 0.5 * wh], axis=1)
    return {"objectness": objectness, "pred_bbox_deltas": pred_bbox_deltas, "anchors": anchors}


def _decode(deltas, anchors):
    # BoxCoder.decode with weights (1,1,1,1)
    widths = anchors[:, 2] - anchors[:, 0]
    heights = anchors[:, 3] - anchors[:, 1]
    ctr_x = anchors[:, 0] + 0.5 * widths
    ctr_y = anchors[:, 1] + 0.5 * heights
    dx = deltas[..., 0]
    dy = deltas[..., 1]
    dw = jnp.minimum(deltas[..., 2], BBOX_XFORM_CLIP)
    dh = jnp.minimum(deltas[..., 3], BBOX_XFORM_CLIP)
    pred_ctr_x = dx * widths + ctr_x
    pred_ctr_y = dy * heights + ctr_y
    pred_w = jnp.exp(dw) * widths
    pred_h = jnp.exp(dh) * heights
    return jnp.stack([pred_ctr_x - 0.5 * pred_w,
                      pred_ctr_y - 0.5 * pred_h,
                      pred_ctr_x + 0.5 * pred_w,
                      pred_ctr_y + 0.5 * pred_h], axis=-1)


def _nms_keep(boxes, scores, thresh):
    # boxes pre-sorted by descending score; returns keep mask (torchvision nms semantics)
    x1, y1, x2, y2 = boxes[:, 0], boxes[:, 1], boxes[:, 2], boxes[:, 3]
    areas = (x2 - x1) * (y2 - y1)
    n = boxes.shape[0]
    idxs = jnp.arange(n)

    def body(keep, i):
        xx1 = jnp.maximum(x1[i], x1)
        yy1 = jnp.maximum(y1[i], y1)
        xx2 = jnp.minimum(x2[i], x2)
        yy2 = jnp.minimum(y2[i], y2)
        inter = jnp.clip(xx2 - xx1, 0.0) * jnp.clip(yy2 - yy1, 0.0)
        iou = inter / (areas[i] + areas - inter + 1e-9)
        suppress = (iou > thresh) & (idxs > i) & keep[i]
        return keep & (~suppress), None

    keep, _ = jax.lax.scan(body, jnp.ones(n, dtype=bool), idxs)
    return keep


def _filter_one(boxes, scores, levels):
    # clip_boxes_to_image
    boxes = jnp.stack([jnp.clip(boxes[:, 0], 0.0, float(IMG_W)),
                       jnp.clip(boxes[:, 1], 0.0, float(IMG_H)),
                       jnp.clip(boxes[:, 2], 0.0, float(IMG_W)),
                       jnp.clip(boxes[:, 3], 0.0, float(IMG_H))], axis=-1)
    # remove_small_boxes + score_thresh as masks (fixed shapes)
    ws = boxes[:, 2] - boxes[:, 0]
    hs = boxes[:, 3] - boxes[:, 1]
    valid = (ws >= MIN_SIZE) & (hs >= MIN_SIZE) & (scores >= SCORE_THRESH)
    scores = jnp.where(valid, scores, -jnp.inf)
    boxes = jnp.where(valid[:, None], boxes, 0.0)
    # batched_nms via per-level coordinate offset
    offsets = levels.astype(jnp.float32) * (float(max(IMG_H, IMG_W)) + 1.0)
    boxes_nms = boxes + offsets[:, None]
    order = jnp.argsort(-scores)
    b = boxes_nms[order]
    s = scores[order]
    ob = boxes[order]
    keep = _nms_keep(jax.lax.stop_gradient(b), jax.lax.stop_gradient(s), NMS_THRESH) & jnp.isfinite(s)
    s2 = jnp.where(keep, s, -jnp.inf)
    order2 = jnp.argsort(-s2)[:POST_NMS_TOP_N]
    m = jnp.isfinite(s2[order2])
    return jnp.where(m[:, None], ob[order2], 0.0)


def reference(objectness, pred_bbox_deltas, anchors):
    # RPN detaches objectness and bbox deltas before proposal filtering
    objectness = jax.lax.stop_gradient(objectness)
    deltas = jax.lax.stop_gradient(pred_bbox_deltas)
    proposals = _decode(deltas, anchors)  # [N_img, A, 4]
    levels = jnp.concatenate([jnp.full((n,), i, dtype=jnp.int32)
                              for i, n in enumerate(NUM_ANCHORS_PER_LEVEL)])
    # per-level pre-NMS top-k (_get_top_n_idx)
    top_idx = []
    off = 0
    for n in NUM_ANCHORS_PER_LEVEL:
        k = min(PRE_NMS_TOP_N, n)
        _, idx = jax.lax.top_k(objectness[:, off:off + n], k)
        top_idx.append(idx + off)
        off += n
    top_idx = jnp.concatenate(top_idx, axis=1)
    bidx = jnp.arange(NUM_IMAGES)[:, None]
    obj = objectness[bidx, top_idx]
    lvl = levels[top_idx]
    prop = proposals[bidx, top_idx]
    probs = jax.nn.sigmoid(obj)
    outs = [_filter_one(prop[i], probs[i], lvl[i]) for i in range(NUM_IMAGES)]
    return jnp.stack(outs, axis=0)  # [N_img, POST_NMS_TOP_N, 4]

if __name__ == "__main__":
    import jax
    _d = setup_inputs()
    print(jax.jit(kernel)(*tuple(_d.values())))

</pallas_src>

<mosaic_0001>
module attributes {stable_mosaic.version = 14 : i64} {
  func.func @_nms_pipeline_kernel(%arg0: i32, %arg1: memref<1x16x128xf32, #tpu.memory_space<vmem>>, %arg2: memref<1x16x128xf32, #tpu.memory_space<vmem>>, %arg3: memref<1x4x16x128xf32, #tpu.memory_space<vmem>>, %arg4: memref<1x4x16x128xf32, #tpu.memory_space<vmem>>, %arg5: memref<1x4x16x128xf32, #tpu.memory_space<vmem>>, %arg6: memref<1x16x128xf32, #tpu.memory_space<vmem>>) attributes {dimension_semantics = [#tpu.dimension_semantics<arbitrary>], iteration_bounds = array<i64: 2>, scalar_prefetch = 0 : i64, scratch_operands = 0 : i64, tpu.core_type = #tpu.core_type<tc>, window_params = [{transform_indices = @transform_0, window_bounds = array<i64: 1, 16, 128>}, {transform_indices = @transform_1, window_bounds = array<i64: 1, 16, 128>}, {transform_indices = @transform_2, window_bounds = array<i64: 1, 4, 16, 128>}, {transform_indices = @transform_3, window_bounds = array<i64: 1, 4, 16, 128>}, {transform_indices = @transform_4, window_bounds = array<i64: 1, 4, 16, 128>}, {transform_indices = @transform_5, window_bounds = array<i64: 1, 16, 128>}]} {
    %get3A = arith.constant 0 : index
    %get3A_0 = arith.constant 0 : index
    %get3A_1 = arith.constant 0 : index
    %get3A_2 = arith.constant 0 : index
    %get3A_3 = vector.load %arg4[%get3A, %get3A_0, %get3A_1, %get3A_2] : memref<1x4x16x128xf32, #tpu.memory_space<vmem>>, vector<1x4x16x128xf32>
    %get3A_4 = vector.shape_cast %get3A_3 : vector<1x4x16x128xf32> to vector<4x16x128xf32>
    %get3A_5 = arith.constant 0 : index
    %get3A_6 = arith.constant 0 : index
    %get3A_7 = arith.constant 0 : index
    %get3A_8 = arith.constant 0 : index
    %get3A_9 = vector.load %arg3[%get3A_5, %get3A_6, %get3A_7, %get3A_8] : memref<1x4x16x128xf32, #tpu.memory_space<vmem>>, vector<1x4x16x128xf32>
    %get3A_10 = vector.shape_cast %get3A_9 : vector<1x4x16x128xf32> to vector<4x16x128xf32>
    %get3A_11 = arith.constant 0 : index
    %get3A_12 = arith.constant 0 : index
    %get3A_13 = arith.constant 0 : index
    %get3A_14 = vector.load %arg1[%get3A_11, %get3A_12, %get3A_13] : memref<1x16x128xf32, #tpu.memory_space<vmem>>, vector<1x16x128xf32>
    %get3A_15 = vector.shape_cast %get3A_14 : vector<1x16x128xf32> to vector<16x128xf32>
    %get3A_16 = arith.constant 0 : index
    %get3A_17 = arith.constant 0 : index
    %get3A_18 = arith.constant 0 : index
    %get3A_19 = vector.load %arg2[%get3A_16, %get3A_17, %get3A_18] : memref<1x16x128xf32, #tpu.memory_space<vmem>>, vector<1x16x128xf32>
    %get3A_20 = vector.shape_cast %get3A_19 : vector<1x16x128xf32> to vector<16x128xf32>
    %slice3A = vector.extract_strided_slice %get3A_4 {offsets = [2, 0, 0], sizes = [1, 16, 128], strides = [1, 1, 1]} : vector<4x16x128xf32> to vector<1x16x128xf32>
    %squeeze3A = vector.shape_cast %slice3A : vector<1x16x128xf32> to vector<16x128xf32>
    %slice3A_21 = vector.extract_strided_slice %get3A_4 {offsets = [0, 0, 0], sizes = [1, 16, 128], strides = [1, 1, 1]} : vector<4x16x128xf32> to vector<1x16x128xf32>
    %squeeze3A_22 = vector.shape_cast %slice3A_21 : vector<1x16x128xf32> to vector<16x128xf32>
    %sub3A = arith.subf %squeeze3A, %squeeze3A_22 : vector<16x128xf32>
    %slice3A_23 = vector.extract_strided_slice %get3A_4 {offsets = [3, 0, 0], sizes = [1, 16, 128], strides = [1, 1, 1]} : vector<4x16x128xf32> to vector<1x16x128xf32>
    %squeeze3A_24 = vector.shape_cast %slice3A_23 : vector<1x16x128xf32> to vector<16x128xf32>
    %slice3A_25 = vector.extract_strided_slice %get3A_4 {offsets = [1, 0, 0], sizes = [1, 16, 128], strides = [1, 1, 1]} : vector<4x16x128xf32> to vector<1x16x128xf32>
    %squeeze3A_26 = vector.shape_cast %slice3A_25 : vector<1x16x128xf32> to vector<16x128xf32>
    %sub3A_27 = arith.subf %squeeze3A_24, %squeeze3A_26 : vector<16x128xf32>
    %slice3A_28 = vector.extract_strided_slice %get3A_4 {offsets = [0, 0, 0], sizes = [1, 16, 128], strides = [1, 1, 1]} : vector<4x16x128xf32> to vector<1x16x128xf32>
    %squeeze3A_29 = vector.shape_cast %slice3A_28 : vector<1x16x128xf32> to vector<16x128xf32>
    %mul3A = arith.constant 5.000000e-01 : f32
    %mul3A_30 = vector.broadcast %mul3A : f32 to vector<16x128xf32>
    %mul3A_31 = arith.mulf %mul3A_30, %sub3A : vector<16x128xf32>
    %add3A = arith.addf %squeeze3A_29, %mul3A_31 : vector<16x128xf32>
    %slice3A_32 = vector.extract_strided_slice %get3A_4 {offsets = [1, 0, 0], sizes = [1, 16, 128], strides = [1, 1, 1]} : vector<4x16x128xf32> to vector<1x16x128xf32>
    %squeeze3A_33 = vector.shape_cast %slice3A_32 : vector<1x16x128xf32> to vector<16x128xf32>
    %mul3A_34 = arith.constant 5.000000e-01 : f32
    %mul3A_35 = vector.broadcast %mul3A_34 : f32 to vector<16x128xf32>
    %mul3A_36 = arith.mulf %mul3A_35, %sub3A_27 : vector<16x128xf32>
    %add3A_37 = arith.addf %squeeze3A_33, %mul3A_36 : vector<16x128xf32>
    %slice3A_38 = vector.extract_strided_slice %get3A_10 {offsets = [0, 0, 0], sizes = [1, 16, 128], strides = [1, 1, 1]} : vector<4x16x128xf32> to vector<1x16x128xf32>
    %squeeze3A_39 = vector.shape_cast %slice3A_38 : vector<1x16x128xf32> to vector<16x128xf32>
    %slice3A_40 = vector.extract_strided_slice %get3A_10 {offsets = [1, 0, 0], sizes = [1, 16, 128], strides = [1, 1, 1]} : vector<4x16x128xf32> to vector<1x16x128xf32>
    %squeeze3A_41 = vector.shape_cast %slice3A_40 : vector<1x16x128xf32> to vector<16x128xf32>
    %slice3A_42 = vector.extract_strided_slice %get3A_10 {offsets = [2, 0, 0], sizes = [1, 16, 128], strides = [1, 1, 1]} : vector<4x16x128xf32> to vector<1x16x128xf32>
    %squeeze3A_43 = vector.shape_cast %slice3A_42 : vector<1x16x128xf32> to vector<16x128xf32>
    %min3A = arith.constant 4.13516665 : f32
    %min3A_44 = vector.broadcast %min3A : f32 to vector<16x128xf32>
    %min3A_45 = arith.minimumf %squeeze3A_43, %min3A_44 : vector<16x128xf32>
    %slice3A_46 = vector.extract_strided_slice %get3A_10 {offsets = [3, 0, 0], sizes = [1, 16, 128], strides = [1, 1, 1]} : vector<4x16x128xf32> to vector<1x16x128xf32>
    %squeeze3A_47 = vector.shape_cast %slice3A_46 : vector<1x16x128xf32> to vector<16x128xf32>
    %min3A_48 = arith.constant 4.13516665 : f32
    %min3A_49 = vector.broadcast %min3A_48 : f32 to vector<16x128xf32>
    %min3A_50 = arith.minimumf %squeeze3A_47, %min3A_49 : vector<16x128xf32>
    %mul3A_51 = arith.mulf %squeeze3A_39, %sub3A : vector<16x128xf32>
    %add3A_52 = arith.addf %mul3A_51, %add3A : vector<16x128xf32>
    %mul3A_53 = arith.mulf %squeeze3A_41, %sub3A_27 : vector<16x128xf32>
    %add3A_54 = arith.addf %mul3A_53, %add3A_37 : vector<16x128xf32>
    %exp3A = math.exp %min3A_45 : vector<16x128xf32>
    %mul3A_55 = arith.mulf %exp3A, %sub3A : vector<16x128xf32>
    %exp3A_56 = math.exp %min3A_50 : vector<16x128xf32>
    %mul3A_57 = arith.mulf %exp3A_56, %sub3A_27 : vector<16x128xf32>
    %mul3A_58 = arith.constant 5.000000e-01 : f32
    %mul3A_59 = vector.broadcast %mul3A_58 : f32 to vector<16x128xf32>
    %mul3A_60 = arith.mulf %mul3A_59, %mul3A_55 : vector<16x128xf32>
    %sub3A_61 = arith.subf %add3A_52, %mul3A_60 : vector<16x128xf32>
    %jit3A = arith.constant 0.000000e+00 : f32
    %jit3A_62 = arith.constant 8.000000e+02 : f32
    %max3A = vector.broadcast %jit3A : f32 to vector<16x128xf32>
    %max3A_63 = arith.maximumf %max3A, %sub3A_61 : vector<16x128xf32>
    %min3A_64 = vector.broadcast %jit3A_62 : f32 to vector<16x128xf32>
    %min3A_65 = arith.minimumf %min3A_64, %max3A_63 : vector<16x128xf32>
    %mul3A_66 = arith.constant 5.000000e-01 : f32
    %mul3A_67 = vector.broadcast %mul3A_66 : f32 to vector<16x128xf32>
    %mul3A_68 = arith.mulf %mul3A_67, %mul3A_57 : vector<16x128xf32>
    %sub3A_69 = arith.subf %add3A_54, %mul3A_68 : vector<16x128xf32>
    %jit3A_70 = arith.constant 0.000000e+00 : f32
    %jit3A_71 = arith.constant 8.000000e+02 : f32
    %max3A_72 = vector.broadcast %jit3A_70 : f32 to vector<16x128xf32>
    %max3A_73 = arith.maximumf %max3A_72, %sub3A_69 : vector<16x128xf32>
    %min3A_74 = vector.broadcast %jit3A_71 : f32 to vector<16x128xf32>
    %min3A_75 = arith.minimumf %min3A_74, %max3A_73 : vector<16x128xf32>
    %mul3A_76 = arith.constant 5.000000e-01 : f32
    %mul3A_77 = vector.broadcast %mul3A_76 : f32 to vector<16x128xf32>
    %mul3A_78 = arith.mulf %mul3A_77, %mul3A_55 : vector<16x128xf32>
    %add3A_79 = arith.addf %add3A_52, %mul3A_78 : vector<16x128xf32>
    %jit3A_80 = arith.constant 0.000000e+00 : f32
    %jit3A_81 = arith.constant 8.000000e+02 : f32
    %max3A_82 = vector.broadcast %jit3A_80 : f32 to vector<16x128xf32>
    %max3A_83 = arith.maximumf %max3A_82, %add3A_79 : vector<16x128xf32>
    %min3A_84 = vector.broadcast %jit3A_81 : f32 to vector<16x128xf32>
    %min3A_85 = arith.minimumf %min3A_84, %max3A_83 : vector<16x128xf32>
    %mul3A_86 = arith.constant 5.000000e-01 : f32
    %mul3A_87 = vector.broadcast %mul3A_86 : f32 to vector<16x128xf32>
    %mul3A_88 = arith.mulf %mul3A_87, %mul3A_57 : vector<16x128xf32>
    %add3A_89 = arith.addf %add3A_54, %mul3A_88 : vector<16x128xf32>
    %jit3A_90 = arith.constant 0.000000e+00 : f32
    %jit3A_91 = arith.constant 8.000000e+02 : f32
    %max3A_92 = vector.broadcast %jit3A_90 : f32 to vector<16x128xf32>
    %max3A_93 = arith.maximumf %max3A_92, %add3A_89 : vector<16x128xf32>
    %min3A_94 = vector.broadcast %jit3A_91 : f32 to vector<16x128xf32>
    %min3A_95 = arith.minimumf %min3A_94, %max3A_93 : vector<16x128xf32>
    %sub3A_96 = arith.subf %min3A_85, %min3A_65 : vector<16x128xf32>
    %sub3A_97 = arith.subf %min3A_95, %min3A_75 : vector<16x128xf32>
    %logistic3A = arith.negf %get3A_15 : vector<16x128xf32>
    %logistic3A_98 = math.exp %logistic3A : vector<16x128xf32>
    %logistic3A_99 = arith.constant 1.000000e+00 : f32
    %logistic3A_100 = vector.broadcast %logistic3A_99 : f32 to vector<16x128xf32>
    %logistic3A_101 = arith.addf %logistic3A_100, %logistic3A_98 : vector<16x128xf32>
    %logistic3A_102 = arith.divf %logistic3A_100, %logistic3A_101 : vector<16x128xf32>
    %ge3A = arith.constant 1.000000e-03 : f32
    %ge3A_103 = vector.broadcast %ge3A : f32 to vector<16x128xf32>
    %ge3A_104 = arith.cmpf oge, %sub3A_96, %ge3A_103 : vector<16x128xf32>
    %ge3A_105 = arith.constant 1.000000e-03 : f32
    %ge3A_106 = vector.broadcast %ge3A_105 : f32 to vector<16x128xf32>
    %ge3A_107 = arith.cmpf oge, %sub3A_97, %ge3A_106 : vector<16x128xf32>
    %and3A = arith.andi %ge3A_104, %ge3A_107 : vector<16x128xi1>
    %ge3A_108 = arith.constant 0.000000e+00 : f32
    %ge3A_109 = vector.broadcast %ge3A_108 : f32 to vector<16x128xf32>
    %ge3A_110 = arith.cmpf oge, %logistic3A_102, %ge3A_109 : vector<16x128xf32>
    %and3A_111 = arith.andi %and3A, %ge3A_110 : vector<16x128xi1>
    %mul3A_112 = arith.constant 8.010000e+02 : f32
    %mul3A_113 = vector.broadcast %mul3A_112 : f32 to vector<16x128xf32>
    %mul3A_114 = arith.mulf %get3A_20, %mul3A_113 : vector<16x128xf32>
    %add3A_115 = arith.addf %min3A_65, %mul3A_114 : vector<16x128xf32>
    %add3A_116 = arith.addf %min3A_75, %mul3A_114 : vector<16x128xf32>
    %add3A_117 = arith.addf %min3A_85, %mul3A_114 : vector<16x128xf32>
    %add3A_118 = arith.addf %min3A_95, %mul3A_114 : vector<16x128xf32>
    %mul3A_119 = arith.mulf %sub3A_96, %sub3A_97 : vector<16x128xf32>
    %iota3A = tpu.iota {dimensions = array<i32: 0>} : vector<16x128xi32>
    %mul3A_120 = arith.constant 128 : i32
    %mul3A_121 = vector.broadcast %mul3A_120 : i32 to vector<16x128xi32>
    %mul3A_122 = arith.muli %iota3A, %mul3A_121 : vector<16x128xi32>
    %iota3A_123 = tpu.iota {dimensions = array<i32: 1>} : vector<16x128xi32>
    %add3A_124 = arith.addi %mul3A_122, %iota3A_123 : vector<16x128xi32>
    %jit3A_125 = arith.constant 1.000000e+00 : f32
    %jit3A_126 = arith.constant 0.000000e+00 : f32
    %broadcast_in_dim3A = vector.broadcast %jit3A_125 : f32 to vector<16x128xf32>
    %broadcast_in_dim3A_127 = vector.broadcast %jit3A_126 : f32 to vector<16x128xf32>
    %select_n3A = arith.select %and3A_111, %broadcast_in_dim3A, %broadcast_in_dim3A_127 : vector<16x128xi1>, vector<16x128xf32>
    %scan3A = arith.constant 0 : i32
    %scan3A_128 = arith.constant 2000 : i32
    %scan3A_129 = arith.addi %scan3A, %scan3A_128 : i32
    %scan3A_130 = arith.constant 1 : i32
    %scan3A_131 = scf.for %scan3A_166 = %scan3A to %scan3A_129 step %scan3A_130 iter_args(%scan3A_167 = %select_n3A) -> (vector<16x128xf32>)  : i32 {
      %eq3A = vector.broadcast %scan3A_166 : i32 to vector<16x128xi32>
      %eq3A_168 = arith.cmpi eq, %add3A_124, %eq3A : vector<16x128xi32>
      %jit3A_169 = arith.constant 0.000000e+00 : f32
      %broadcast_in_dim3A_170 = vector.broadcast %jit3A_169 : f32 to vector<16x128xf32>
      %select_n3A_171 = arith.select %eq3A_168, %scan3A_167, %broadcast_in_dim3A_170 : vector<16x128xi1>, vector<16x128xf32>
      %reduce_sum3A = vector.shape_cast %select_n3A_171 : vector<16x128xf32> to vector<1x16x128xf32>
      %reduce_sum3A_172 = arith.constant dense<0.000000e+00> : vector<1xf32>
      %reduce_sum3A_173 = vector.multi_reduction <add>, %reduce_sum3A, %reduce_sum3A_172 [1, 2] : vector<1x16x128xf32> to vector<1xf32>
      %reduce_sum3A_174 = vector.shape_cast %reduce_sum3A_173 : vector<1xf32> to vector<1x1x1xf32>
      %reduce_sum3A_175 = vector.extract %reduce_sum3A_174[0, 0, 0] : f32 from vector<1x1x1xf32>
      %jit3A_176 = arith.constant 0.000000e+00 : f32
      %broadcast_in_dim3A_177 = vector.broadcast %jit3A_176 : f32 to vector<16x128xf32>
      %select_n3A_178 = arith.select %eq3A_168, %add3A_115, %broadcast_in_dim3A_177 : vector<16x128xi1>, vector<16x128xf32>
      %reduce_sum3A_179 = vector.shape_cast %select_n3A_178 : vector<16x128xf32> to vector<1x16x128xf32>
      %reduce_sum3A_180 = arith.constant dense<0.000000e+00> : vector<1xf32>
      %reduce_sum3A_181 = vector.multi_reduction <add>, %reduce_sum3A_179, %reduce_sum3A_180 [1, 2] : vector<1x16x128xf32> to vector<1xf32>
      %reduce_sum3A_182 = vector.shape_cast %reduce_sum3A_181 : vector<1xf32> to vector<1x1x1xf32>
      %reduce_sum3A_183 = vector.extract %reduce_sum3A_182[0, 0, 0] : f32 from vector<1x1x1xf32>
      %jit3A_184 = arith.constant 0.000000e+00 : f32
      %broadcast_in_dim3A_185 = vector.broadcast %jit3A_184 : f32 to vector<16x128xf32>
      %select_n3A_186 = arith.select %eq3A_168, %add3A_116, %broadcast_in_dim3A_185 : vector<16x128xi1>, vector<16x128xf32>
      %reduce_sum3A_187 = vector.shape_cast %select_n3A_186 : vector<16x128xf32> to vector<1x16x128xf32>
      %reduce_sum3A_188 = arith.constant dense<0.000000e+00> : vector<1xf32>
      %reduce_sum3A_189 = vector.multi_reduction <add>, %reduce_sum3A_187, %reduce_sum3A_188 [1, 2] : vector<1x16x128xf32> to vector<1xf32>
      %reduce_sum3A_190 = vector.shape_cast %reduce_sum3A_189 : vector<1xf32> to vector<1x1x1xf32>
      %reduce_sum3A_191 = vector.extract %reduce_sum3A_190[0, 0, 0] : f32 from vector<1x1x1xf32>
      %jit3A_192 = arith.constant 0.000000e+00 : f32
      %broadcast_in_dim3A_193 = vector.broadcast %jit3A_192 : f32 to vector<16x128xf32>
      %select_n3A_194 = arith.select %eq3A_168, %add3A_117, %broadcast_in_dim3A_193 : vector<16x128xi1>, vector<16x128xf32>
      %reduce_sum3A_195 = vector.shape_cast %select_n3A_194 : vector<16x128xf32> to vector<1x16x128xf32>
      %reduce_sum3A_196 = arith.constant dense<0.000000e+00> : vector<1xf32>
      %reduce_sum3A_197 = vector.multi_reduction <add>, %reduce_sum3A_195, %reduce_sum3A_196 [1, 2] : vector<1x16x128xf32> to vector<1xf32>
      %reduce_sum3A_198 = vector.shape_cast %reduce_sum3A_197 : vector<1xf32> to vector<1x1x1xf32>
      %reduce_sum3A_199 = vector.extract %reduce_sum3A_198[0, 0, 0] : f32 from vector<1x1x1xf32>
      %jit3A_200 = arith.constant 0.000000e+00 : f32
      %broadcast_in_dim3A_201 = vector.broadcast %jit3A_200 : f32 to vector<16x128xf32>
      %select_n3A_202 = arith.select %eq3A_168, %add3A_118, %broadcast_in_dim3A_201 : vector<16x128xi1>, vector<16x128xf32>
      %reduce_sum3A_203 = vector.shape_cast %select_n3A_202 : vector<16x128xf32> to vector<1x16x128xf32>
      %reduce_sum3A_204 = arith.constant dense<0.000000e+00> : vector<1xf32>
      %reduce_sum3A_205 = vector.multi_reduction <add>, %reduce_sum3A_203, %reduce_sum3A_204 [1, 2] : vector<1x16x128xf32> to vector<1xf32>
      %reduce_sum3A_206 = vector.shape_cast %reduce_sum3A_205 : vector<1xf32> to vector<1x1x1xf32>
      %reduce_sum3A_207 = vector.extract %reduce_sum3A_206[0, 0, 0] : f32 from vector<1x1x1xf32>
      %jit3A_208 = arith.constant 0.000000e+00 : f32
      %broadcast_in_dim3A_209 = vector.broadcast %jit3A_208 : f32 to vector<16x128xf32>
      %select_n3A_210 = arith.select %eq3A_168, %mul3A_119, %broadcast_in_dim3A_209 : vector<16x128xi1>, vector<16x128xf32>
      %reduce_sum3A_211 = vector.shape_cast %select_n3A_210 : vector<16x128xf32> to vector<1x16x128xf32>
      %reduce_sum3A_212 = arith.constant dense<0.000000e+00> : vector<1xf32>
      %reduce_sum3A_213 = vector.multi_reduction <add>, %reduce_sum3A_211, %reduce_sum3A_212 [1, 2] : vector<1x16x128xf32> to vector<1xf32>
      %reduce_sum3A_214 = vector.shape_cast %reduce_sum3A_213 : vector<1xf32> to vector<1x1x1xf32>
      %reduce_sum3A_215 = vector.extract %reduce_sum3A_214[0, 0, 0] : f32 from vector<1x1x1xf32>
      %max3A_216 = vector.broadcast %reduce_sum3A_183 : f32 to vector<16x128xf32>
      %max3A_217 = arith.maximumf %max3A_216, %add3A_115 : vector<16x128xf32>
      %max3A_218 = vector.broadcast %reduce_sum3A_191 : f32 to vector<16x128xf32>
      %max3A_219 = arith.maximumf %max3A_218, %add3A_116 : vector<16x128xf32>
      %min3A_220 = vector.broadcast %reduce_sum3A_199 : f32 to vector<16x128xf32>
      %min3A_221 = arith.minimumf %min3A_220, %add3A_117 : vector<16x128xf32>
      %min3A_222 = vector.broadcast %reduce_sum3A_207 : f32 to vector<16x128xf32>
      %min3A_223 = arith.minimumf %min3A_222, %add3A_118 : vector<16x128xf32>
      %sub3A_224 = arith.subf %min3A_221, %max3A_217 : vector<16x128xf32>
      %max3A_225 = arith.constant 0.000000e+00 : f32
      %max3A_226 = vector.broadcast %max3A_225 : f32 to vector<16x128xf32>
      %max3A_227 = arith.maximumf %sub3A_224, %max3A_226 : vector<16x128xf32>
      %sub3A_228 = arith.subf %min3A_223, %max3A_219 : vector<16x128xf32>
      %max3A_229 = arith.constant 0.000000e+00 : f32
      %max3A_230 = vector.broadcast %max3A_229 : f32 to vector<16x128xf32>
      %max3A_231 = arith.maximumf %sub3A_228, %max3A_230 : vector<16x128xf32>
      %mul3A_232 = arith.mulf %max3A_227, %max3A_231 : vector<16x128xf32>
      %add3A_233 = vector.broadcast %reduce_sum3A_215 : f32 to vector<16x128xf32>
      %add3A_234 = arith.addf %add3A_233, %mul3A_119 : vector<16x128xf32>
      %sub3A_235 = arith.subf %add3A_234, %mul3A_232 : vector<16x128xf32>
      %add3A_236 = arith.constant 9.99999971E-10 : f32
      %add3A_237 = vector.broadcast %add3A_236 : f32 to vector<16x128xf32>
      %add3A_238 = arith.addf %sub3A_235, %add3A_237 : vector<16x128xf32>
      %div3A = arith.divf %mul3A_232, %add3A_238 : vector<16x128xf32>
      %gt3A = arith.constant 0.699999988 : f32
      %gt3A_239 = vector.broadcast %gt3A : f32 to vector<16x128xf32>
      %gt3A_240 = arith.cmpf ogt, %div3A, %gt3A_239 : vector<16x128xf32>
      %gt3A_241 = vector.broadcast %scan3A_166 : i32 to vector<16x128xi32>
      %gt3A_242 = arith.cmpi sgt, %add3A_124, %gt3A_241 : vector<16x128xi32>
      %and3A_243 = arith.andi %gt3A_240, %gt3A_242 : vector<16x128xi1>
      %gt3A_244 = arith.constant 0.000000e+00 : f32
      %gt3A_245 = arith.cmpf ogt, %reduce_sum3A_175, %gt3A_244 : f32
      %and3A_246 = vector.broadcast %gt3A_245 : i1 to vector<16x128xi1>
      %and3A_247 = arith.andi %and3A_243, %and3A_246 : vector<16x128xi1>
      %jit3A_248 = arith.constant 0.000000e+00 : f32
      %broadcast_in_dim3A_249 = vector.broadcast %jit3A_248 : f32 to vector<16x128xf32>
      %select_n3A_250 = arith.select %and3A_247, %broadcast_in_dim3A_249, %scan3A_167 : vector<16x128xi1>, vector<16x128xf32>
      scf.yield %select_n3A_250 : vector<16x128xf32>
    }
    %scan3A_132 = arith.constant 2000 : i32
    %swap3A = arith.constant 0 : index
    %swap3A_133 = arith.constant 0 : index
    %swap3A_134 = arith.constant 0 : index
    %swap3A_135 = vector.load %arg6[%swap3A, %swap3A_133, %swap3A_134] : memref<1x16x128xf32, #tpu.memory_space<vmem>>, vector<1x16x128xf32>
    %swap3A_136 = vector.shape_cast %swap3A_135 : vector<1x16x128xf32> to vector<16x128xf32>
    %swap3A_137 = vector.shape_cast %scan3A_131 : vector<16x128xf32> to vector<1x16x128xf32>
    tpu.vector_store %arg6[%swap3A, %swap3A_133, %swap3A_134], %swap3A_137 {strides = array<i32>} : memref<1x16x128xf32, #tpu.memory_space<vmem>>, vector<1x16x128xf32>,
    %swap3A_138 = arith.constant 0 : index
    %swap3A_139 = arith.constant 0 : index
    %swap3A_140 = arith.constant 0 : index
    %swap3A_141 = arith.constant 0 : index
    %swap3A_142 = vector.load %arg5[%swap3A_138, %swap3A_139, %swap3A_140, %swap3A_141] : memref<1x4x16x128xf32, #tpu.memory_space<vmem>>, vector<1x1x16x128xf32>
    %swap3A_143 = vector.shape_cast %swap3A_142 : vector<1x1x16x128xf32> to vector<16x128xf32>
    %swap3A_144 = vector.shape_cast %min3A_65 : vector<16x128xf32> to vector<1x1x16x128xf32>
    tpu.vector_store %arg5[%swap3A_138, %swap3A_139, %swap3A_140, %swap3A_141], %swap3A_144 {strides = array<i32>} : memref<1x4x16x128xf32, #tpu.memory_space<vmem>>, vector<1x1x16x128xf32>,
    %swap3A_145 = arith.constant 0 : index
    %swap3A_146 = arith.constant 1 : index
    %swap3A_147 = arith.constant 0 : index
    %swap3A_148 = arith.constant 0 : index
    %swap3A_149 = vector.load %arg5[%swap3A_145, %swap3A_146, %swap3A_147, %swap3A_148] : memref<1x4x16x128xf32, #tpu.memory_space<vmem>>, vector<1x1x16x128xf32>
    %swap3A_150 = vector.shape_cast %swap3A_149 : vector<1x1x16x128xf32> to vector<16x128xf32>
    %swap3A_151 = vector.shape_cast %min3A_75 : vector<16x128xf32> to vector<1x1x16x128xf32>
    tpu.vector_store %arg5[%swap3A_145, %swap3A_146, %swap3A_147, %swap3A_148], %swap3A_151 {strides = array<i32>} : memref<1x4x16x128xf32, #tpu.memory_space<vmem>>, vector<1x1x16x128xf32>,
    %swap3A_152 = arith.constant 0 : index
    %swap3A_153 = arith.constant 2 : index
    %swap3A_154 = arith.constant 0 : index
    %swap3A_155 = arith.constant 0 : index
    %swap3A_156 = vector.load %arg5[%swap3A_152, %swap3A_153, %swap3A_154, %swap3A_155] : memref<1x4x16x128xf32, #tpu.memory_space<vmem>>, vector<1x1x16x128xf32>
    %swap3A_157 = vector.shape_cast %swap3A_156 : vector<1x1x16x128xf32> to vector<16x128xf32>
    %swap3A_158 = vector.shape_cast %min3A_85 : vector<16x128xf32> to vector<1x1x16x128xf32>
    tpu.vector_store %arg5[%swap3A_152, %swap3A_153, %swap3A_154, %swap3A_155], %swap3A_158 {strides = array<i32>} : memref<1x4x16x128xf32, #tpu.memory_space<vmem>>, vector<1x1x16x128xf32>,
    %swap3A_159 = arith.constant 0 : index
    %swap3A_160 = arith.constant 3 : index
    %swap3A_161 = arith.constant 0 : index
    %swap3A_162 = arith.constant 0 : index
    %swap3A_163 = vector.load %arg5[%swap3A_159, %swap3A_160, %swap3A_161, %swap3A_162] : memref<1x4x16x128xf32, #tpu.memory_space<vmem>>, vector<1x1x16x128xf32>
    %swap3A_164 = vector.shape_cast %swap3A_163 : vector<1x1x16x128xf32> to vector<16x128xf32>
    %swap3A_165 = vector.shape_cast %min3A_95 : vector<16x128xf32> to vector<1x1x16x128xf32>
    tpu.vector_store %arg5[%swap3A_159, %swap3A_160, %swap3A_161, %swap3A_162], %swap3A_165 {strides = array<i32>} : memref<1x4x16x128xf32, #tpu.memory_space<vmem>>, vector<1x1x16x128xf32>,
    return
  }
  func.func @transform_0(%arg0: i32) -> (i32, i32, i32) {
    %c0_i32 = arith.constant 0 : i32
    %c0_i32_0 = arith.constant 0 : i32
    %c0_i32_1 = arith.constant 0 : i32
    return %arg0, %c0_i32, %c0_i32_0 : i32, i32, i32
  }
  func.func @transform_1(%arg0: i32) -> (i32, i32, i32) {
    %c0_i32 = arith.constant 0 : i32
    %c0_i32_0 = arith.constant 0 : i32
    %c0_i32_1 = arith.constant 0 : i32
    return %arg0, %c0_i32, %c0_i32_0 : i32, i32, i32
  }
  func.func @transform_2(%arg0: i32) -> (i32, i32, i32, i32) {
    %c0_i32 = arith.constant 0 : i32
    %c0_i32_0 = arith.constant 0 : i32
    %c0_i32_1 = arith.constant 0 : i32
    %c0_i32_2 = arith.constant 0 : i32
    return %arg0, %c0_i32, %c0_i32_0, %c0_i32_1 : i32, i32, i32, i32
  }
  func.func @transform_3(%arg0: i32) -> (i32, i32, i32, i32) {
    %c0_i32 = arith.constant 0 : i32
    %c0_i32_0 = arith.constant 0 : i32
    %c0_i32_1 = arith.constant 0 : i32
    %c0_i32_2 = arith.constant 0 : i32
    return %arg0, %c0_i32, %c0_i32_0, %c0_i32_1 : i32, i32, i32, i32
  }
  func.func @transform_4(%arg0: i32) -> (i32, i32, i32, i32) {
    %c0_i32 = arith.constant 0 : i32
    %c0_i32_0 = arith.constant 0 : i32
    %c0_i32_1 = arith.constant 0 : i32
    %c0_i32_2 = arith.constant 0 : i32
    return %arg0, %c0_i32, %c0_i32_0, %c0_i32_1 : i32, i32, i32, i32
  }
  func.func @transform_5(%arg0: i32) -> (i32, i32, i32) {
    %c0_i32 = arith.constant 0 : i32
    %c0_i32_0 = arith.constant 0 : i32
    %c0_i32_1 = arith.constant 0 : i32
    return %arg0, %c0_i32, %c0_i32_0 : i32, i32, i32
  }
}

</mosaic_0001>

<sc_bundles>
// kernel: gather_offload_async_start.1
scs
__scs_entry_jumppad:
0x0: {  	(pc) =	sbr.rel $0x88, $3  }
0x1: {  	(tag) =	ssettag $0x0;
	lr =	simm.s32 $0x1  }
0x2: {  	[smem:$0x3F9E] =	sst lr;
	_ =	strace $0xD0000000  }
0x3: {  	_ = 	snop  }
0x4: {  	_ = 	snop  }
0x5: {  	_ = 	snop  }
0x6: {  	_ = 	snop  }
0x7: {  	_ = 	snop  }
__scs_overlays_trampoline_lowered:
0x8: {  	[smem:$0x3FAD] =	sst s0  }
0x9: {  	[smem:$0x3FAE] =	sst s1  }
0xa: {  	[smem:$0x3FAF] =	sst s2  }
0xb: {  	[smem:$0x3FB0] =	sst s3  }
0xc: {  	[smem:$0x3FB1] =	sst s4  }
0xd: {  	[smem:$0x3FB2] =	sst s5  }
0xe: {  	[smem:$0x3FB3] =	sst s6  }
0xf: {  	[smem:$0x3FB4] =	sst s7  }
0x10: {  	[smem:$0x3FB5] =	sst s8  }
0x11: {  	[smem:$0x3FB6] =	sst s9;
	s0 =	simm.s32 @!p0 $0x0  }
0x12: {  	s1 =	sld [smem:$0x3F9C];
	s0 =	simm.s32 @p0 $0x1  }
0x13: {  	[smem:$0x3FB7] =	sst s0;
	s0 =	simm.s32 @!p1 $0x0  }
0x14: {  	s2 =	sld [smem:$0x3F9B];
	s0 =	simm.s32 @p1 $0x1  }
0x15: {  	[smem:$0x3FB8] =	sst s0;
	s0 =	simm.s32 @!p2 $0x0  }
0x16: {  	s3 =	sld [smem:$0x3FDB];
	s0 =	simm.s32 @p2 $0x1  }
0x17: {  	s4 =	simm.s32 $0x1BF5;
	[smem:$0x3FBA] =	sst s0  }
0x18: {  	s0 =	sld [smem:$0x3F9D];
	_ =	swait.ge [sflag:s4], $0x0  }
0x19: {  	s7 =	sld [smem:$0x3F9E]  }
0x1a: {  	s8 =	sadd.s32 $0xFFFFE003, lr  }
0x1b: {  	s9 =	sadd.s32 $0xFFFFFEF7, lr;
	s5 =	simm.s32 $0xFFFFFFFF;
	p2 =	slt.u32 s8, $0xFFFFF086  }
0x1c: {  	p1 =	slt.u32 s9, $0xF7A;
	s5 =	simm.s32 @!p2 $0x0  }
0x1d: {  	s5 =	simm.s32 @p1 $0x1;
	p0 =	seq.s32 s7, s2  }
0x1e: {  	s7 =	smul.u32 @!p0 $0xF7A, s2;
	p2 =	seq.s32 @!p0 s5, $0x0  }
0x1f: {  	s9 =	smul.u32 $0xF7A, s1;
	s8 =	simm.s32 @!p0 $0x1BF5;
	p2 =	por !p2, p0  }
0x20: {  	[sflag:s8] =	ssyncset.s32 @!p0 $0xFFFFF086;
	s6 =	sadd.s32 @!p0 s3, s7;
	s7 =	simm.s32 @!p0 $0x108  }
0x21: {  	s3 =	sadd.s32 s3, s9;
	s6 =	sadd.s32 @!p0 $0x88, s6;
	s7 =	simm.s32 @p2 $0x1082  }
0x22: {  	[simem:s7], [sflag:s8] =	dma.local @!p0 [hbm:s6], $0xF7A  }
0x23: {  	s9 =	sor.u32 $0xD0000000, s2;
	s6 =	simm.s32 $0x108;
	_ =	swait.ge @!p0 [sflag:s8], $0x0  }
0x24: {  	s3 =	sadd.s32 $0x88, s3;
	s6 =	simm.s32 @!p1 $0x1082;
	[sflag:s4] =	ssyncset.s32 $0xFFFFF086  }
0x25: {  	[simem:s6], [sflag:s4] =	dma.local [hbm:s3], $0xF7A  }
0x26: {  	[smem:$0x3F9E] =	sst s1;
	(tag) =	ssettag s2;
	_ =	strace s9  }
0x27: {  	s1 =	sld [smem:$0x3FAE]  }
0x28: {  	s2 =	sld [smem:$0x3FAF]  }
0x29: {  	s4 =	sld [smem:$0x3FB1]  }
0x2a: {  	p0 =	seq.s32 s5, $0x0;
	s5 =	sld [smem:$0x3FB2]  }
0x2b: {  	s6 =	sld [smem:$0x3FB3]  }
0x2c: {  	s7 =	sld [smem:$0x3FB4]  }
0x2d: {  	s3 =	simm.s32 $0x108;
	s8 =	sld [smem:$0x3FB5]  }
0x2e: {  	s3 =	simm.s32 @!p0 $0x1082;
	s9 =	sld [smem:$0x3FB6]  }
0x2f: {  	lr =	sadd.s32 s0, s3;
	s0 =	sld [smem:$0x3FAD]  }
0x30: {  	s3 =	sld [smem:$0x3FB0]  }
0x31: {  	[smem:$0x3FB9] =	sst s10  }
0x32: {  	s10 =	sld [smem:$0x3FB7];
	_ =	sdelay $0x3  }
0x33: {  	p0 =	seq.s32 s10, $0x1;
	s10 =	sld [smem:$0x3FB9];
	_ =	sdelay $0x3  }
0x34: {  	[smem:$0x3FB9] =	sst s10  }
0x35: {  	s10 =	sld [smem:$0x3FB8];
	_ =	sdelay $0x3  }
0x36: {  	p1 =	seq.s32 s10, $0x1;
	s10 =	sld [smem:$0x3FB9];
	_ =	sdelay $0x3  }
0x37: {  	[smem:$0x3FB9] =	sst s10  }
0x38: {  	s10 =	sld [smem:$0x3FBA]  }
0x39: {  	_ = 	snop;
	(pc) =	sbr.ind lr, $3  }
0x3a: {  	_ = 	snop  }
0x3b: {  	_ = 	snop  }
0x3c: {  	p2 =	seq.s32 s10, $0x1;
	s10 =	sld [smem:$0x3FB9]  }
0x3d: {  	_ =	shalt  }
0x3e: {  	_ =	shalt  }
0x3f: {  	_ =	shalt  }
0x40: {  	_ =	shalt  }
0x41: {  	_ =	shalt  }
0x42: {  	_ =	shalt  }
0x43: {  	_ =	shalt  }
0x44: {  	_ =	shalt  }
0x45: {  	_ =	shalt  }
0x46: {  	_ =	shalt  }
0x47: {  	_ =	shalt  }
0x48: {  	_ =	shalt  }
0x49: {  	_ =	shalt  }
0x4a: {  	_ =	shalt  }
0x4b: {  	_ =	shalt  }
0x4c: {  	_ =	shalt  }
0x4d: {  	_ =	shalt  }
0x4e: {  	_ =	shalt  }
0x4f: {  	_ =	shalt  }
0x50: {  	_ =	shalt  }
0x51: {  	_ =	shalt  }
0x52: {  	_ =	shalt  }
0x53: {  	_ =	shalt  }
0x54: {  	_ =	shalt  }
0x55: {  	_ =	shalt  }
0x56: {  	_ =	shalt  }
0x57: {  	_ =	shalt  }
0x58: {  	_ =	shalt  }
0x59: {  	_ =	shalt  }
0x5a: {  	_ =	shalt  }
0x5b: {  	_ =	shalt  }
0x5c: {  	_ =	shalt  }
0x5d: {  	_ =	shalt  }
0x5e: {  	_ =	shalt  }
0x5f: {  	_ =	shalt  }
0x60: {  	_ =	shalt  }
0x61: {  	_ =	shalt  }
0x62: {  	_ =	shalt  }
0x63: {  	_ =	shalt  }
0x64: {  	_ =	shalt  }
0x65: {  	_ =	shalt  }
0x66: {  	_ =	shalt  }
0x67: {  	_ =	shalt  }
0x68: {  	_ =	shalt  }
0x69: {  	_ =	shalt  }
0x6a: {  	_ =	shalt  }
0x6b: {  	_ =	shalt  }
0x6c: {  	_ =	shalt  }
0x6d: {  	_ =	shalt  }
0x6e: {  	_ =	shalt  }
0x6f: {  	_ =	shalt  }
0x70: {  	_ =	shalt  }
0x71: {  	_ =	shalt  }
0x72: {  	_ =	shalt  }
0x73: {  	_ =	shalt  }
0x74: {  	_ =	shalt  }
0x75: {  	_ =	shalt  }
0x76: {  	_ =	shalt  }
0x77: {  	_ =	shalt  }
0x78: {  	_ =	shalt  }
0x79: {  	_ =	shalt  }
0x7a: {  	_ =	shalt  }
0x7b: {  	_ =	shalt  }
0x7c: {  	_ =	shalt  }
0x7d: {  	_ =	shalt  }
0x7e: {  	_ =	shalt  }
0x7f: {  	_ =	shalt  }
0x80: {  	_ =	shalt  }
0x81: {  	_ =	shalt  }
0x82: {  	_ =	shalt  }
0x83: {  	_ =	shalt  }
0x84: {  	_ =	shalt  }
0x85: {  	_ =	shalt  }
0x86: {  	_ =	shalt  }
0x87: {  	_ =	shalt  }
.Lfunc_end0:
.L_simem_size_0:
called_computation.1_lowered:
.L_overlay_start_0:
0x88: {  	s2 =	sld [smem:$0x3FD9]  }
0x89: {  	s3 =	sld [smem:$0x3FFE];
	_ =	sdelay $0x1  }
0x8a: {  	s1 =	srdreg.scid  }
0x8b: {  	s0 =	sand.u32 $0x1, s1  }
0x8c: {  	s17 =	sshll.u32 s0, $0xA;
	s2 =	sadd.s32 s3, s2  }
0x8d: {  	s2 =	sadd.s32 s2, s17  }
0x8e: {  	[smem:$0x3FC5] =	sst s2  }
0x8f: {  	_ = 	snop  }
0x90: {  	s18 =	sld [smem:$0x3FC8];
	(tm) =	ssettm $0x1  }
0x91: {  	s19 =	sld [smem:$0x3FFB];
	_ =	sdelay $0x3  }
0x92: {  	_ =	strace s19  }
0x93: {  	s2 =	sld [smem:$0x3FFC];
	_ =	sdelay $0x3  }
0x94: {  	_ =	strace s2  }
0x95: {  	s2 =	sld [smem:$0x3FFD];
	_ =	sdelay $0x3  }
0x96: {  	_ =	strace s2  }
0x97: {  	_ =	strace $0x8FFFFFFF  }
0x98: {  	s20 =	sld [smem:$0x3FDB];
	_ =	sdelay $0x1  }
0x99: {  	s4 =	simm.s32 $_scs_section_size  }
0x9a: {  	s5 =	simm.s32 $_size__tile_overlayer_lowered;
	s6 =	simm.s32 $_tile_overlayer_lowered  }
0x9b: {  	s7 =	simm.s32 $0x1BFF;
	s21 =	sshll.u32 s6, $0x1;
	s4 =	sadd.s32 s4, s20  }
0x9c: {  	s22 =	simm.s32 $0x0;
	s5 =	sshll.u32 s5, $0x1;
	s6 =	sadd.s32 s21, s4  }
0x9d: {  	[timem:s22], [sflag:s7] =	dma.local [hbm:s6], s5  }
0x9e: {  	_ =	swait.ge [sflag:s7], s5  }
0x9f: {  	s5 =	ssub.s32 $0x0, s5;
	[sflag:s7] =	ssyncset.done $0x0  }
0xa0: {  	[sflag:s7] =	ssyncadd.s32 s5;
	_ =	sdelay $0x1  }
0xa1: {  	s23 =	simm.s32 $0x1B8B  }
0xa2: {  	_ =	swait.ge [sflag:s23], $0x1  }
0xa3: {  	[sflag:s23] =	ssyncset.done $0x0  }
0xa4: {  	[sflag:s23] =	ssyncadd.s32 $0xFFFFFFFF  }
0xa5: {  	s5 =	sld [smem:$0x0]  }
0xa6: {  	s6 =	sand.u32 $0xFFFFFFFE, s1  }
0xa7: {  	p0 =	sne.s32 s1, s6  }
0xa8: {  	s6 =	sshll.u32 @p0 s6, $0xE  }
0xa9: {  	s6 =	sadd.s32 @p0 $0x11B8D, s6;
	s7 =	sshll.u32 @p0 s5, $0x11  }
0xaa: {  	s6 =	sor.u32 @p0 s7, s6  }
0xab: {  	[sflag:s6] =	ssyncadd.remote.s32 @p0 $0x1;
	_ =	sdelay $0x1  }
0xac: {  	s6 =	simm.s32 @p0 $0x1B8D  }
0xad: {  	_ =	swait.eq @p0 [sflag:s6], $0x1  }
0xae: {  	[sflag:s6] =	ssyncadd.s32 @p0 $0xFFFFFFFF  }
0xaf: {  	s7 =	sshll.u32 @!p0 s1, $0xE  }
0xb0: {  	s7 =	sor.u32 @!p0 $0x4000, s7;
	s6 =	simm.s32 @!p0 $0x1B8D  }
0xb1: {  	s5 =	sshll.u32 @!p0 s5, $0x11;
	s7 =	sadd.s32 @!p0 $0x11B8D, s7;
	_ =	swait.eq @!p0 [sflag:s6], $0x1  }
0xb2: {  	s5 =	sor.u32 @!p0 s5, s7;
	[sflag:s6] =	ssyncadd.s32 @!p0 $0xFFFFFFFF  }
0xb3: {  	s25 =	simm.s32 $0x1B8E;
	s24 =	sld [smem:$0x3FFE];
	[sflag:s5] =	ssyncadd.remote.s32 @!p0 $0x1  }
0xb4: {  	s26 =	simm.s32 $execute0_lowered;
	[smem:$0x3FD2] =	sst s25  }
0xb5: {  	s6 =	sshll.u32 s26, $0x1;
	_ =	strace $0x80000052;
	[dreg:$0x1] =	wrdreg $0xFFFFFFFF  }
0xb6: {  	s28 =	simm.s32 $_size_execute0_lowered;
	s4 =	sadd.s32 s4, s6;
	[dreg:$0x0] =	wrdreg $0x0  }
0xb7: {  	s6 =	sshll.u32 s28, $0x1;
	[dreg:$0x2] =	wrdreg s4  }
0xb8: {  	[dreg:$0x3] =	wrdreg s6  }
0xb9: {  	[dreg:$0x4] =	wrdreg $0xC0  }
0xba: {  	_ =	task [dreg:s22], $0x5FFFF  }
0xbb: {  	[dreg:$0x1] =	wrdreg $0xFFFFFFFF  }
0xbc: {  	[dreg:$0x0] =	wrdreg $0x60  }
0xbd: {  	[dreg:$0x2] =	wrdreg s18  }
0xbe: {  	[dreg:$0x3] =	wrdreg s24  }
0xbf: {  	[dreg:$0x4] =	wrdreg $0x9  }
0xc0: {  	_ =	task.clear_ibuf [dreg:s22], $0x5FFFF;
	_ =	strace $0x90000052  }
0xc1: {  	s29 =	simm.s32 $0x9;
	_ =	strace $0x80000054  }
0xc2: {  	_ =	swait.ge [sflag:s29], $0x1  }
0xc3: {  	[sflag:s29] =	ssyncadd.s32 $0xFFFFFFFF  }
0xc4: {  	_ =	strace $0x90000054  }
0xc5: {  	_ =	sfence  }
0xc6: {  	s30 =	sld [smem:$0x0];
	_ =	sdelay $0x2  }
0xc7: {  	s31 =	sshll.u32 s1, $0xD;
	s1 =	sshrl.u32 s1, $0x2  }
0xc8: {  	s4 =	sand.u32 $0x4000, s31;
	s1 =	sadd.s32 s1, s30  }
0xc9: {  	s0 =	sor.u32 s4, s0;
	s1 =	sshll.u32 s1, $0x11  }
0xca: {  	s0 =	sor.u32 s1, s0  }
0xcb: {  	s0 =	sadd.s32 $0x8F2B, s0  }
0xcc: {  	[sflag:s0] =	ssyncadd.remote.s32 $0x1  }
0xcd: {  	_ =	sfence.sel $0xFFFF  }
0xce: {  	[dreg:$0x0] =	wrdreg $0xFFFFFFFF;
	(pc) =	sbr.abs _section_cstart, $3  }
0xcf: {  	[dreg:$0x1] =	wrdreg $0xFFFFFFFF  }
0xd0: {  	_ =	task.clear_ibuf [dreg:s22], $0x2FFFF;
	_ =	strace $0x9FFFFFFF  }
0xd1: {  	(tm) =	ssettm $0x7FFFFFFF  }
tec
execute0_lowered:
.L_overlay_start_1:
0x0: {  	(tag) =	ssettag $0x1  }
0x1: {  	s2 =	rddreg [dreg:$0x0];
	s0 =	srdreg.scid  }
0x2: {  	s8 =	rddreg [dreg:$0x1];
	s1 =	stileid.u32;
	s5 =	simm.s32 $0x1  }
0x3: {  	s6 =	simm.s32 $0x2;
	s10 =	simm.s32 $0x3;
	s3 =	sshll.u32 s0, $0x7  }
0x4: {  	s12 =	simm.s32 $0x0;
	s4 =	sshll.u32 s1, $0x8;
	s3 =	sand.u32 $0x80, s3  }
0x5: {  	s0 =	rddreg [dreg:$0x2];
	_ =	strace $0x80000053;
	s3 =	sor.u32 s4, s3  }
0x6: {  	s11 =	simm.s32 $0x0;
	[sflag:s5] =	ssyncpa.u1 $0x0;
	s7 =	ssub.s32 $0x1000, s3  }
.Ltmp0:
0x7: {  	s4 =	sadd.s32 $0x31DE00, s8;
	s9 =	sand.u32 $0xF80, s7;
	(pc) =	sbr.rel .LBB2_1-.Ltmp0, $4  }
0x8: {  	[sflag:s6] =	ssyncpa.u1 $0x0;
	p0 =	sne.s32 s9, $0x0;
	s9 =	simm.s32 $0x1  }
0x9: {  	[sflag:s10] =	ssyncpa.u1 $0x0;
	s7 =	sshrl.u32 s7, $0xC;
	s9 =	simm.s32 @!p0 $0x0  }
0xa: {  	s31 =	sshrl.u32 s3, $0x3;
	s10 =	simm.s32 $0x0;
	s7 =	sadd.s32 s9, s7  }
0xb: {  	vm0 =	vmmov $0xffff;
	v0 =	vimm.s32 $0x0;
	v1 =	vlaneseq.u32;
	s8 =	sadd.s32 s8, s31;
	p0 =	por $0x0, $0x0;
	s9 =	sadd.s32 $0x1, s7  }
.LBB2_4:
0xc: {  	_ =	sdelay $0x3  }
0xd: {  	[tilespmem:s20], [sflag:$0x1] =	stream.indirect_vreg.gather [hbm4b:s2+s10], $0x1, v2, vm0, $0x4038;
	[tilespmem:$0x500] =	vst v63  }
0xe: {  	s14 =	sadd.s32 s16, s14  }
0xf: {  	v2 =	vld.msk [tilespmem:s14+$0x0 ss:$0x1], $0xffff;
	_ =	sdelay $0x4  }
0x10: {  	v3 =	vshrl.u32 v2, $0x1  }
0x11: {  	v4 =	vand.u32 $0x1, v2;
	vm1 =	veq.s32 v2, $0x80000000;
	v2 =	vand.u32 $0x3FFFF, v3  }
0x12: {  	p1 =	sgt.s32 s17, $0x0;
	vm2 =	veq.s32 v4, $0x1;
	v2 =	vsel vm1, $0xFFFFFFFF, v2  }
0x13: {  	s17 =	simm.s32 @!p1 $0x0;
	v3 =	vsel vm2, $0xC3600, v0;
	v61 =	vshll.u32 v2, $0x2  }
0x14: {  	s26 =	smin.u32 s17, $0x10;
	v3 =	vsel vm1, $0xFFF3CA00, v3;
	v4 =	vand.u32 $0xFFFFFE00, v61  }
0x15: {  	v62 =	vmov s26;
	v2 =	vand.u32 $0x7F, v2;
	v3 =	vadd.s32 v3, v4  }
0x16: {  	vm1 =	vgt.u32 v62, v1;
	v2 =	vor.u32 v2, v3  }
0x17: {  	v3 =	vnsel vm1, $0x7FFFFFFF, v2;
	_ =	sdelay $0x1  }
0x18: {  	v63 =	vor.u32 $0x80, v2  }
0x19: {  	(ifvalue) =	ssetifvalue $0x7FFFFFFF;
	v4 =	vnsel vm1, $0x7FFFFFFF, v63  }
0x1a: {  	s28 =	sadd.s32 s16, s15;
	(ifvalue) =	ssetifvalue $0x7FFFFFFF  }
0x1b: {  	v5 =	vor.u32 $0x100, v2;
	[tilespmem:s28], [sflag:$0x1] =	stream.indirect_vreg.gather [hbm4b:s2+s10], $0x1, v3, vm0, $0x4038;
	[tilespmem:$0x500] =	vst v63  }
0x1c: {  	(ifvalue) =	ssetifvalue $0x7FFFFFFF;
	v3 =	vnsel vm1, $0x7FFFFFFF, v5  }
0x1d: {  	s15 =	sadd.s32 $0x80, s28;
	(ifvalue) =	ssetifvalue $0x7FFFFFFF  }
0x1e: {  	v2 =	vor.u32 $0x180, v2;
	[tilespmem:s15], [sflag:$0x1] =	stream.indirect_vreg.gather [hbm4b:s2+s10], $0x1, v4, vm0, $0x4038;
	[tilespmem:$0x500] =	vst v63  }
0x1f: {  	v2 =	vnsel vm1, $0x7FFFFFFF, v2;
	(ifvalue) =	ssetifvalue $0x7FFFFFFF  }
0x20: {  	s29 =	sadd.s32 $0x100, s28;
	(ifvalue) =	ssetifvalue $0x7FFFFFFF  }
0x21: {  	[tilespmem:s29], [sflag:$0x1] =	stream.indirect_vreg.gather [hbm4b:s2+s10], $0x1, v3, vm0, $0x4038;
	[tilespmem:$0x500] =	vst v63  }
0x22: {  	(ifvalue) =	ssetifvalue $0x7FFFFFFF  }
0x23: {  	s30 =	sshll.u32 s12, $0x2;
	s14 =	sadd.s32 $0x180, s28;
	(ifvalue) =	ssetifvalue $0x7FFFFFFF  }
0x24: {  	[tilespmem:s14], [sflag:$0x1] =	stream.indirect_vreg.gather [hbm4b:s2+s10], $0x1, v2, vm0, $0x4038;
	[tilespmem:$0x500] =	vst v63  }
0x25: {  	s31 =	sand.u32 $0x78, s12;
	s14 =	sand.u32 $0x7FFFFE00, s30  }
0x26: {  	_ =	swait.ge [sflag:s5], $0x200;
	s12 =	sor.u32 s31, s14  }
0x27: {  	[sflag:s5] =	ssyncset.done $0x0;
	s12 =	sshrl.u32 s12, $0x3  }
0x28: {  	[sflag:s5] =	ssyncadd.s32 $0xFFFFFE00;
	s12 =	sadd.s32 s4, s12  }
0x29: {  	[hbm:s12] =	stream.linear.scatter [tilespmem:s13], [sflag:$0x3], $0x200, $0x38;
	[tilespmem:$0x500] =	vst v63  }
.LBB2_5:
0x2a: {  	p2 =	sne.s32 s11, s9  }
.Ltmp1:
0x2b: {  	p1 =	slt.u32 s11, $0x2;
	(pc) =	sbr.rel @!p2 .LBB2_6-.Ltmp1, $4  }
0x2c: {  	s12 =	simm.s32 @!p1 $0x3  }
0x2d: {  	_ =	swait.ge @!p1 [sflag:s12], $0x200  }
0x2e: {  	s13 =	sadd.s32 $0x1, s11;
	p0 =	por !p0, !p0;
	[sflag:s12] =	ssyncset.done @!p1 $0x0  }
0x2f: {  	s11 =	smov.u32 s13;
	[sflag:s12] =	ssyncadd.s32 @!p1 $0xFFFFFE00;
	s12 =	smov.u32 s3  }
.LBB2_1:
0x30: {  	p1 =	sge.u32 s11, s7  }
0x31: {  	s13 =	sxor.u32 @!p1 $0xFFFFFFFF, s11  }
0x32: {  	s13 =	sshll.u32 @!p1 s13, $0x7  }
0x33: {  	s31 =	sadd.s32 $0xFFFFFFFF, s11;
	s14 =	simm.s32 @!p1 $0x0;
	s13 =	sand.u32 @!p1 $0x80, s13  }
0x34: {  	[tilespmem:s13], [sflag:$0x2] =	stream.linear.gather @!p1 [hbm4b:s8+s14], $0x80, $0x38;
	[tilespmem:$0x500] =	vst v63  }
0x35: {  	p1 =	sge.u32 s31, s7  }
.Ltmp2:
0x36: {  	_ = 	snop;
	(pc) =	sbr.rel @p1 .LBB2_5-.Ltmp2, $1  }
0x37: {  	_ =	sdelay $0x3  }
0x38: {  	s13 =	simm.s32 $0x1  }
0x39: {  	_ =	swait.ge [sflag:s6], $0x80;
	s13 =	simm.s32 @!p0 $0x0  }
0x3a: {  	[sflag:s6] =	ssyncset.done $0x0;
	s14 =	sshll.u32 s13, $0x7  }
0x3b: {  	[sflag:s6] =	ssyncadd.s32 $0xFFFFFF80;
	s15 =	sadd.s32 $0x0, s14  }
0x3c: {  	v2 =	vld.msk [tilespmem:s15+$0x0 ss:$0x1], $0xffff;
	_ =	sdelay $0x3  }
0x3d: {  	s17 =	ssub.s32 $0xFA0, s12  }
0x3e: {  	p1 =	slt.s32 s17, $0x80;
	v3 =	vshrl.u32 v2, $0x1  }
0x3f: {  	s17 =	simm.s32 @!p1 $0x80;
	v4 =	vand.u32 $0x1, v2;
	vm1 =	veq.s32 v2, $0x80000000;
	v2 =	vand.u32 $0x3FFFF, v3  }
0x40: {  	p1 =	sgt.s32 s17, $0x0;
	s15 =	smov.u32 s17;
	vm2 =	veq.s32 v4, $0x1;
	v2 =	vsel vm1, $0xFFFFFFFF, v2  }
0x41: {  	s15 =	simm.s32 @!p1 $0x0;
	v3 =	vsel vm2, $0xC3600, v0;
	v61 =	vshll.u32 v2, $0x2  }
0x42: {  	s15 =	smin.u32 s15, $0x10;
	v3 =	vsel vm1, $0xFFF3CA00, v3;
	v4 =	vand.u32 $0xFFFFFE00, v61  }
0x43: {  	v62 =	vmov s15;
	v2 =	vand.u32 $0x7F, v2;
	v3 =	vadd.s32 v3, v4  }
0x44: {  	vm1 =	vgt.u32 v62, v1;
	v2 =	vor.u32 v2, v3  }
0x45: {  	v3 =	vnsel vm1, $0x7FFFFFFF, v2;
	_ =	sdelay $0x1  }
0x46: {  	s13 =	sshll.u32 s13, $0x9;
	v63 =	vor.u32 $0x80, v2  }
0x47: {  	(ifvalue) =	ssetifvalue $0x7FFFFFFF;
	s15 =	sor.u32 $0x100, s13;
	v4 =	vnsel vm1, $0x7FFFFFFF, v63  }
0x48: {  	(ifvalue) =	ssetifvalue $0x7FFFFFFF;
	s18 =	sadd.s32 $0x0, s15  }
0x49: {  	v5 =	vor.u32 $0x100, v2;
	[tilespmem:s18], [sflag:$0x1] =	stream.indirect_vreg.gather [hbm4b:s2+s10], $0x1, v3, vm0, $0x4038;
	[tilespmem:$0x500] =	vst v63  }
0x4a: {  	(ifvalue) =	ssetifvalue $0x7FFFFFFF;
	v3 =	vnsel vm1, $0x7FFFFFFF, v5  }
0x4b: {  	s16 =	sadd.s32 $0x80, s18;
	(ifvalue) =	ssetifvalue $0x7FFFFFFF  }
0x4c: {  	v2 =	vor.u32 $0x180, v2;
	[tilespmem:s16], [sflag:$0x1] =	stream.indirect_vreg.gather [hbm4b:s2+s10], $0x1, v4, vm0, $0x4038;
	[tilespmem:$0x500] =	vst v63  }
0x4d: {  	s30 =	sshll.u32 s11, $0x9;
	s19 =	simm.s32 $0x80;
	v2 =	vnsel vm1, $0x7FFFFFFF, v2;
	(ifvalue) =	ssetifvalue $0x7FFFFFFF  }
0x4e: {  	s13 =	sand.u32 $0x200, s30;
	s31 =	sadd.s32 $0x100, s18;
	(ifvalue) =	ssetifvalue $0x7FFFFFFF  }
0x4f: {  	[tilespmem:s31], [sflag:$0x1] =	stream.indirect_vreg.gather [hbm4b:s2+s10], $0x1, v3, vm0, $0x4038;
	[tilespmem:$0x500] =	vst v63  }
0x50: {  	s17 =	sadd.s32 $0xFFFFFFF0, s17;
	s13 =	sor.u32 $0x100, s13;
	(ifvalue) =	ssetifvalue $0x7FFFFFFF  }
0x51: {  	s20 =	sadd.s32 $0x180, s18;
	s16 =	simm.s32 $0x10;
	(ifvalue) =	ssetifvalue $0x7FFFFFFF  }
.LBB2_3:
0x52: {  	[tilespmem:s20], [sflag:$0x1] =	stream.indirect_vreg.gather [hbm4b:s2+s10], $0x1, v2, vm0, $0x4038;
	[tilespmem:$0x500] =	vst v63  }
0x53: {  	s18 =	smov.u32 s19  }
0x54: {  	s21 =	sadd.s32 s16, s14;
	s20 =	sshra.s32 s18, $0x2;
	s18 =	sadd.s32 $0x40, s19  }
0x55: {  	p1 =	sne.s32 s19, $0x1C0;
	v2 =	vld.msk [tilespmem:s21+$0x0 ss:$0x1], $0xffff  }
0x56: {  	(ifvalue) =	ssetifvalue $0x7FFFFFFF;
	_ =	sdelay $0x4  }
0x57: {  	v3 =	vshrl.u32 v2, $0x1;
	v4 =	vand.u32 $0x1, v2  }
0x58: {  	vm1 =	veq.s32 v2, $0x80000000;
	v2 =	vand.u32 $0x3FFFF, v3;
	vm2 =	veq.s32 v4, $0x1  }
0x59: {  	p2 =	sgt.s32 s17, $0x0;
	s19 =	smov.u32 s17;
	v2 =	vsel vm1, $0xFFFFFFFF, v2;
	v3 =	vsel vm2, $0xC3600, v0  }
0x5a: {  	s19 =	simm.s32 @!p2 $0x0;
	v3 =	vsel vm1, $0xFFF3CA00, v3;
	v4 =	vshll.u32 v2, $0x2  }
0x5b: {  	s19 =	smin.u32 s19, $0x10;
	v4 =	vand.u32 $0xFFFFFE00, v4  }
0x5c: {  	v2 =	vand.u32 $0x7F, v2;
	v3 =	vadd.s32 v3, v4;
	v4 =	vmov s19  }
0x5d: {  	v2 =	vor.u32 v2, v3;
	vm1 =	vgt.u32 v4, v1  }
0x5e: {  	v3 =	vnsel vm1, $0x7FFFFFFF, v2;
	v4 =	vor.u32 $0x80, v2;
	v5 =	vor.u32 $0x100, v2  }
0x5f: {  	v2 =	vor.u32 $0x180, v2;
	_ =	sdelay $0x1  }
0x60: {  	v4 =	vnsel vm1, $0x7FFFFFFF, v4  }
0x61: {  	s19 =	sadd.s32 s16, s15;
	s16 =	smov.u32 s20;
	(ifvalue) =	ssetifvalue $0x7FFFFFFF  }
0x62: {  	[tilespmem:s19], [sflag:$0x1] =	stream.indirect_vreg.gather [hbm4b:s2+s10], $0x1, v3, vm0, $0x4038;
	[tilespmem:$0x500] =	vst v63  }
0x63: {  	v3 =	vnsel vm1, $0x7FFFFFFF, v5;
	(ifvalue) =	ssetifvalue $0x7FFFFFFF  }
0x64: {  	s20 =	sadd.s32 $0x80, s19;
	(ifvalue) =	ssetifvalue $0x7FFFFFFF  }
0x65: {  	[tilespmem:s20], [sflag:$0x1] =	stream.indirect_vreg.gather [hbm4b:s2+s10], $0x1, v4, vm0, $0x4038;
	[tilespmem:$0x500] =	vst v63  }
.Ltmp3:
0x66: {  	v2 =	vnsel vm1, $0x7FFFFFFF, v2;
	(ifvalue) =	ssetifvalue $0x7FFFFFFF;
	(pc) =	sbr.rel @p1 .LBB2_3-.Ltmp3, $4  }
0x67: {  	s20 =	sadd.s32 $0x100, s19;
	(ifvalue) =	ssetifvalue $0x7FFFFFFF  }
0x68: {  	[tilespmem:s20], [sflag:$0x1] =	stream.indirect_vreg.gather [hbm4b:s2+s10], $0x1, v3, vm0, $0x4038;
	[tilespmem:$0x500] =	vst v63  }
0x69: {  	s17 =	sadd.s32 $0xFFFFFFF0, s17;
	(ifvalue) =	ssetifvalue $0x7FFFFFFF  }
0x6a: {  	s20 =	sadd.s32 $0x180, s19;
	s19 =	smov.u32 s18;
	(ifvalue) =	ssetifvalue $0x7FFFFFFF  }
.Ltmp4:
0x6b: {  	_ = 	snop;
	(pc) =	sbr.rel .LBB2_4-.Ltmp4, $1  }
0x6c: {  	_ =	sdelay $0x3  }
.LBB2_6:
0x6d: {  	_ =	sfence.sel $0x180000  }
0x6e: {  	s2 =	simm.s32 $0x2;
	[bflag:$0x0] =	sbarrier.arrive $0xFFFF  }
0x6f: {  	s30 =	simm.s32 $0x3;
	[sflag:s2] =	ssyncpa.u1 $0x1  }
0x70: {  	s31 =	simm.s32 $0x1;
	[sflag:s30] =	ssyncpa.u1 $0x1  }
0x71: {  	[sflag:s31] =	ssyncpa.u1 $0x1  }
0x72: {  	p0 =	sne.s32 s1, $0x0;
	_ =	strace $0x90000053  }
0x73: {  	s0 =	sadd.s32 @!p0 $0x100000, s0;
	[bflag:$0x2] =	sbarrier.arrive $0xFFFF  }
0x74: {  	[sflag:s0] =	ssyncadd.tile.s32 @!p0 $0x1;
	_ =	shalt  }
.Lfunc_end2:
_tile_overlayer_lowered:
.L_overlay_start_2:
0x75: {  	(tag) =	ssettag $0x2  }
0x76: {  	s0 =	rddreg [dreg:$0x0];
	s2 =	stileid.u32  }
0x77: {  	s1 =	rddreg [dreg:$0x1];
	p0 =	sne.s32 s2, $0x0  }
0x78: {  	s3 =	rddreg [dreg:$0x2];
	[bflag:$0x3] =	sbarrier.arrive $0xFFFF;
	s2 =	simm.s32 @!p0 $0x1C01  }
0x79: {  	[timem:s3], [sflag:s2] =	dma.local @!p0 [hbm:s0], s1  }
0x7a: {  	s0 =	simm.s32 @!p0 $0x1  }
0x7b: {  	_ =	swait.ge @!p0 [sflag:s0], s1  }
0x7c: {  	s1 =	ssub.s32 @!p0 $0x0, s1;
	[sflag:s0] =	ssyncset.done @!p0 $0x0  }
0x7d: {  	[sflag:s0] =	ssyncadd.s32 @!p0 s1  }
0x7e: {  	[bflag:$0x3] =	sbarrier.arrive $0xFFFF  }
0x7f: {  	_ =	shalt  }

// kernel: gather_offload_async_start.2
scs
__scs_entry_jumppad:
0x0: {  	(pc) =	sbr.rel $0x88, $3  }
0x1: {  	(tag) =	ssettag $0x0;
	lr =	simm.s32 $0x1  }
0x2: {  	[smem:$0x3F9E] =	sst lr;
	_ =	strace $0xD0000000  }
0x3: {  	_ = 	snop  }
0x4: {  	_ = 	snop  }
0x5: {  	_ = 	snop  }
0x6: {  	_ = 	snop  }
0x7: {  	_ = 	snop  }
__scs_overlays_trampoline_lowered:
0x8: {  	[smem:$0x3FAD] =	sst s0  }
0x9: {  	[smem:$0x3FAE] =	sst s1  }
0xa: {  	[smem:$0x3FAF] =	sst s2  }
0xb: {  	[smem:$0x3FB0] =	sst s3  }
0xc: {  	[smem:$0x3FB1] =	sst s4  }
0xd: {  	[smem:$0x3FB2] =	sst s5  }
0xe: {  	[smem:$0x3FB3] =	sst s6  }
0xf: {  	[smem:$0x3FB4] =	sst s7  }
0x10: {  	[smem:$0x3FB5] =	sst s8  }
0x11: {  	[smem:$0x3FB6] =	sst s9;
	s0 =	simm.s32 @!p0 $0x0  }
0x12: {  	s1 =	sld [smem:$0x3F9C];
	s0 =	simm.s32 @p0 $0x1  }
0x13: {  	[smem:$0x3FB7] =	sst s0;
	s0 =	simm.s32 @!p1 $0x0  }
0x14: {  	s2 =	sld [smem:$0x3F9B];
	s0 =	simm.s32 @p1 $0x1  }
0x15: {  	[smem:$0x3FB8] =	sst s0;
	s0 =	simm.s32 @!p2 $0x0  }
0x16: {  	s3 =	sld [smem:$0x3FDB];
	s0 =	simm.s32 @p2 $0x1  }
0x17: {  	s4 =	simm.s32 $0x1BF5;
	[smem:$0x3FBA] =	sst s0  }
0x18: {  	s0 =	sld [smem:$0x3F9D];
	_ =	swait.ge [sflag:s4], $0x0  }
0x19: {  	s7 =	sld [smem:$0x3F9E]  }
0x1a: {  	s8 =	sadd.s32 $0xFFFFE003, lr  }
0x1b: {  	s9 =	sadd.s32 $0xFFFFFEF7, lr;
	s5 =	simm.s32 $0xFFFFFFFF;
	p2 =	slt.u32 s8, $0xFFFFF086  }
0x1c: {  	p1 =	slt.u32 s9, $0xF7A;
	s5 =	simm.s32 @!p2 $0x0  }
0x1d: {  	s5 =	simm.s32 @p1 $0x1;
	p0 =	seq.s32 s7, s2  }
0x1e: {  	s7 =	smul.u32 @!p0 $0xF7A, s2;
	p2 =	seq.s32 @!p0 s5, $0x0  }
0x1f: {  	s9 =	smul.u32 $0xF7A, s1;
	s8 =	simm.s32 @!p0 $0x1BF5;
	p2 =	por !p2, p0  }
0x20: {  	[sflag:s8] =	ssyncset.s32 @!p0 $0xFFFFF086;
	s6 =	sadd.s32 @!p0 s3, s7;
	s7 =	simm.s32 @!p0 $0x108  }
0x21: {  	s3 =	sadd.s32 s3, s9;
	s6 =	sadd.s32 @!p0 $0x88, s6;
	s7 =	simm.s32 @p2 $0x1082  }
0x22: {  	[simem:s7], [sflag:s8] =	dma.local @!p0 [hbm:s6], $0xF7A  }
0x23: {  	s9 =	sor.u32 $0xD0000000, s2;
	s6 =	simm.s32 $0x108;
	_ =	swait.ge @!p0 [sflag:s8], $0x0  }
0x24: {  	s3 =	sadd.s32 $0x88, s3;
	s6 =	simm.s32 @!p1 $0x1082;
	[sflag:s4] =	ssyncset.s32 $0xFFFFF086  }
0x25: {  	[simem:s6], [sflag:s4] =	dma.local [hbm:s3], $0xF7A  }
0x26: {  	[smem:$0x3F9E] =	sst s1;
	(tag) =	ssettag s2;
	_ =	strace s9  }
0x27: {  	s1 =	sld [smem:$0x3FAE]  }
0x28: {  	s2 =	sld [smem:$0x3FAF]  }
0x29: {  	s4 =	sld [smem:$0x3FB1]  }
0x2a: {  	p0 =	seq.s32 s5, $0x0;
	s5 =	sld [smem:$0x3FB2]  }
0x2b: {  	s6 =	sld [smem:$0x3FB3]  }
0x2c: {  	s7 =	sld [smem:$0x3FB4]  }
0x2d: {  	s3 =	simm.s32 $0x108;
	s8 =	sld [smem:$0x3FB5]  }
0x2e: {  	s3 =	simm.s32 @!p0 $0x1082;
	s9 =	sld [smem:$0x3FB6]  }
0x2f: {  	lr =	sadd.s32 s0, s3;
	s0 =	sld [smem:$0x3FAD]  }
0x30: {  	s3 =	sld [smem:$0x3FB0]  }
0x31: {  	[smem:$0x3FB9] =	sst s10  }
0x32: {  	s10 =	sld [smem:$0x3FB7];
	_ =	sdelay $0x3  }
0x33: {  	p0 =	seq.s32 s10, $0x1;
	s10 =	sld [smem:$0x3FB9];
	_ =	sdelay $0x3  }
0x34: {  	[smem:$0x3FB9] =	sst s10  }
0x35: {  	s10 =	sld [smem:$0x3FB8];
	_ =	sdelay $0x3  }
0x36: {  	p1 =	seq.s32 s10, $0x1;
	s10 =	sld [smem:$0x3FB9];
	_ =	sdelay $0x3  }
0x37: {  	[smem:$0x3FB9] =	sst s10  }
0x38: {  	s10 =	sld [smem:$0x3FBA]  }
0x39: {  	_ = 	snop;
	(pc) =	sbr.ind lr, $3  }
0x3a: {  	_ = 	snop  }
0x3b: {  	_ = 	snop  }
0x3c: {  	p2 =	seq.s32 s10, $0x1;
	s10 =	sld [smem:$0x3FB9]  }
0x3d: {  	_ =	shalt  }
0x3e: {  	_ =	shalt  }
0x3f: {  	_ =	shalt  }
0x40: {  	_ =	shalt  }
0x41: {  	_ =	shalt  }
0x42: {  	_ =	shalt  }
0x43: {  	_ =	shalt  }
0x44: {  	_ =	shalt  }
0x45: {  	_ =	shalt  }
0x46: {  	_ =	shalt  }
0x47: {  	_ =	shalt  }
0x48: {  	_ =	shalt  }
0x49: {  	_ =	shalt  }
0x4a: {  	_ =	shalt  }
0x4b: {  	_ =	shalt  }
0x4c: {  	_ =	shalt  }
0x4d: {  	_ =	shalt  }
0x4e: {  	_ =	shalt  }
0x4f: {  	_ =	shalt  }
0x50: {  	_ =	shalt  }
0x51: {  	_ =	shalt  }
0x52: {  	_ =	shalt  }
0x53: {  	_ =	shalt  }
0x54: {  	_ =	shalt  }
0x55: {  	_ =	shalt  }
0x56: {  	_ =	shalt  }
0x57: {  	_ =	shalt  }
0x58: {  	_ =	shalt  }
0x59: {  	_ =	shalt  }
0x5a: {  	_ =	shalt  }
0x5b: {  	_ =	shalt  }
0x5c: {  	_ =	shalt  }
0x5d: {  	_ =	shalt  }
0x5e: {  	_ =	shalt  }
0x5f: {  	_ =	shalt  }
0x60: {  	_ =	shalt  }
0x61: {  	_ =	shalt  }
0x62: {  	_ =	shalt  }
0x63: {  	_ =	shalt  }
0x64: {  	_ =	shalt  }
0x65: {  	_ =	shalt  }
0x66: {  	_ =	shalt  }
0x67: {  	_ =	shalt  }
0x68: {  	_ =	shalt  }
0x69: {  	_ =	shalt  }
0x6a: {  	_ =	shalt  }
0x6b: {  	_ =	shalt  }
0x6c: {  	_ =	shalt  }
0x6d: {  	_ =	shalt  }
0x6e: {  	_ =	shalt  }
0x6f: {  	_ =	shalt  }
0x70: {  	_ =	shalt  }
0x71: {  	_ =	shalt  }
0x72: {  	_ =	shalt  }
0x73: {  	_ =	shalt  }
0x74: {  	_ =	shalt  }
0x75: {  	_ =	shalt  }
0x76: {  	_ =	shalt  }
0x77: {  	_ =	shalt  }
0x78: {  	_ =	shalt  }
0x79: {  	_ =	shalt  }
0x7a: {  	_ =	shalt  }
0x7b: {  	_ =	shalt  }
0x7c: {  	_ =	shalt  }
0x7d: {  	_ =	shalt  }
0x7e: {  	_ =	shalt  }
0x7f: {  	_ =	shalt  }
0x80: {  	_ =	shalt  }
0x81: {  	_ =	shalt  }
0x82: {  	_ =	shalt  }
0x83: {  	_ =	shalt  }
0x84: {  	_ =	shalt  }
0x85: {  	_ =	shalt  }
0x86: {  	_ =	shalt  }
0x87: {  	_ =	shalt  }
.Lfunc_end0:
.L_simem_size_0:
called_computation.2_lowered:
.L_overlay_start_0:
0x88: {  	s2 =	sld [smem:$0x3FD9]  }
0x89: {  	s3 =	sld [smem:$0x3FFE];
	_ =	sdelay $0x1  }
0x8a: {  	s1 =	srdreg.scid  }
0x8b: {  	s0 =	sand.u32 $0x1, s1  }
0x8c: {  	s16 =	sshll.u32 s0, $0xA;
	s2 =	sadd.s32 s3, s2  }
0x8d: {  	s2 =	sadd.s32 s2, s16  }
0x8e: {  	[smem:$0x3FC5] =	sst s2  }
0x8f: {  	_ = 	snop  }
0x90: {  	(tm) =	ssettm $0x1  }
0x91: {  	s17 =	sld [smem:$0x3FFB];
	_ =	sdelay $0x3  }
0x92: {  	_ =	strace s17  }
0x93: {  	s2 =	sld [smem:$0x3FFC];
	_ =	sdelay $0x3  }
0x94: {  	_ =	strace s2  }
0x95: {  	s2 =	sld [smem:$0x3FFD];
	_ =	sdelay $0x3  }
0x96: {  	_ =	strace s2  }
0x97: {  	_ =	strace $0x8FFFFFFF  }
0x98: {  	s18 =	sld [smem:$0x3FDB];
	_ =	sdelay $0x1  }
0x99: {  	s19 =	simm.s32 $_scs_section_size  }
0x9a: {  	s4 =	simm.s32 $_size__tile_overlayer_lowered;
	s5 =	simm.s32 $_tile_overlayer_lowered  }
0x9b: {  	s22 =	simm.s32 $0x1BFF;
	s21 =	sshll.u32 s5, $0x1;
	s2 =	sadd.s32 s19, s18  }
0x9c: {  	s6 =	simm.s32 $0x0;
	s20 =	sshll.u32 s4, $0x1;
	s4 =	sadd.s32 s21, s2  }
0x9d: {  	[timem:s6], [sflag:s22] =	dma.local [hbm:s4], s20  }
0x9e: {  	_ =	swait.ge [sflag:s22], s20  }
0x9f: {  	s3 =	ssub.s32 $0x0, s20;
	[sflag:s22] =	ssyncset.done $0x0  }
0xa0: {  	[sflag:s22] =	ssyncadd.s32 s3;
	_ =	sdelay $0x1  }
0xa1: {  	s23 =	simm.s32 $0x1B8B  }
0xa2: {  	_ =	swait.ge [sflag:s23], $0x1  }
0xa3: {  	[sflag:s23] =	ssyncset.done $0x0  }
0xa4: {  	s25 =	simm.s32 $0x1B8E;
	s24 =	sld [smem:$0x3FFE];
	[sflag:s23] =	ssyncadd.s32 $0xFFFFFFFF  }
0xa5: {  	s26 =	simm.s32 $execute0_lowered;
	[smem:$0x3FD2] =	sst s25  }
0xa6: {  	s4 =	sshll.u32 s26, $0x1;
	_ =	strace $0x80000049;
	[dreg:$0x1] =	wrdreg $0xFFFFFFFF  }
0xa7: {  	s28 =	simm.s32 $_size_execute0_lowered;
	s2 =	sadd.s32 s2, s4;
	[dreg:$0x0] =	wrdreg $0x0  }
0xa8: {  	s4 =	sshll.u32 s28, $0x1;
	[dreg:$0x2] =	wrdreg s2  }
0xa9: {  	[dreg:$0x3] =	wrdreg s4  }
0xaa: {  	[dreg:$0x4] =	wrdreg $0xC0  }
0xab: {  	_ =	task [dreg:s6], $0x5FFFF  }
0xac: {  	[dreg:$0x1] =	wrdreg $0xFFFFFFFF  }
0xad: {  	[dreg:$0x0] =	wrdreg $0x60  }
0xae: {  	[dreg:$0x2] =	wrdreg s24  }
0xaf: {  	[dreg:$0x3] =	wrdreg $0xC  }
0xb0: {  	_ =	task.clear_ibuf [dreg:s6], $0x4FFFF;
	_ =	strace $0x90000049  }
0xb1: {  	s29 =	simm.s32 $0xC;
	_ =	strace $0x8000004B  }
0xb2: {  	_ =	swait.ge [sflag:s29], $0x1  }
0xb3: {  	[sflag:s29] =	ssyncadd.s32 $0xFFFFFFFF  }
0xb4: {  	_ =	strace $0x9000004B  }
0xb5: {  	_ =	sfence  }
0xb6: {  	s30 =	sld [smem:$0x0];
	_ =	sdelay $0x2  }
0xb7: {  	s31 =	sshll.u32 s1, $0xD;
	s1 =	sshrl.u32 s1, $0x2  }
0xb8: {  	s3 =	sand.u32 $0x4000, s31;
	s1 =	sadd.s32 s1, s30  }
0xb9: {  	s0 =	sor.u32 s3, s0;
	s1 =	sshll.u32 s1, $0x11  }
0xba: {  	s0 =	sor.u32 s1, s0  }
0xbb: {  	s0 =	sadd.s32 $0x8F2B, s0  }
0xbc: {  	[sflag:s0] =	ssyncadd.remote.s32 $0x1  }
0xbd: {  	_ =	sfence.sel $0xFFFF  }
0xbe: {  	[dreg:$0x0] =	wrdreg $0xFFFFFFFF;
	(pc) =	sbr.abs _section_cstart, $3  }
0xbf: {  	[dreg:$0x1] =	wrdreg $0xFFFFFFFF  }
0xc0: {  	_ =	task.clear_ibuf [dreg:s6], $0x2FFFF;
	_ =	strace $0x9FFFFFFF  }
0xc1: {  	(tm) =	ssettm $0x7FFFFFFF  }
tec
execute0_lowered:
.L_overlay_start_1:
0x0: {  	(tag) =	ssettag $0x1  }
0x1: {  	s0 =	srdreg.scid  }
0x2: {  	s1 =	sshll.u32 s0, $0x4  }
0x3: {  	s0 =	stileid.u32;
	s1 =	sand.u32 $0x10, s1  }
0x4: {  	s1 =	sor.u32 s0, s1  }
0x5: {  	s2 =	smin.u32 s1, $0x12  }
0x6: {  	s2 =	sadd.s32 s1, s2  }
0x7: {  	p0 =	slt.u32 s1, $0x12;
	s1 =	simm.s32 $0xA0;
	s2 =	smul.u32 $0x50, s2  }
0x8: {  	s1 =	simm.s32 @!p0 $0x50  }
0x9: {  	s1 =	sadd.s32 s1, s2  }
0xa: {  	s3 =	smin.u32 s1, $0xFA0  }
0xb: {  	s7 =	ssub.s32 s3, s2  }
0xc: {  	p0 =	sgt.s32 s7, $0x0  }
0xd: {  	s7 =	simm.s32 @!p0 $0x0  }
0xe: {  	s4 =	smul.u32 $0xCCCD, s7  }
0xf: {  	s9 =	rddreg [dreg:$0x0];
	s6 =	simm.s32 $0x1;
	s11 =	simm.s32 $0x3  }
0x10: {  	s13 =	simm.s32 $0x0;
	s12 =	simm.s32 $0x0;
	s8 =	sshrl.u32 s4, $0x16  }
0x11: {  	s1 =	rddreg [dreg:$0x1];
	_ =	strace $0x8000004A;
	s10 =	smul.u32 $0x50, s8  }
.Ltmp0:
0x12: {  	s5 =	sadd.s32 $0x30D800, s9;
	[sflag:s6] =	ssyncpa.u1 $0x0;
	(pc) =	sbr.rel .LBB2_1-.Ltmp0, $4  }
0x13: {  	s4 =	sadd.s32 $0x200, s9;
	p0 =	sne.s32 s7, s10;
	s10 =	simm.s32 $0x1  }
0x14: {  	s9 =	sadd.s32 $0x30DC00, s9;
	s7 =	simm.s32 $0x2;
	s10 =	simm.s32 @!p0 $0x0  }
0x15: {  	[sflag:s7] =	ssyncpa.u1 $0x0;
	p0 =	por $0x0, $0x0;
	s8 =	sadd.s32 s8, s10  }
0x16: {  	vm0 =	vmmov $0xff;
	vm1 =	vcmask $0x3F20;
	[sflag:s11] =	ssyncpa.u1 $0x0;
	s11 =	smov.u32 s2;
	s10 =	sadd.s32 $0x1, s8  }
.LBB2_6:
0x17: {  	[hbm:s17] =	stream.linear.scatter [tilespmem:s14], [sflag:$0x3], $0x400, $0x38;
	[tilespmem:$0x50A0] =	vst v63  }
.LBB2_7:
0x18: {  	s13 =	sadd.s32 $0x50, s11  }
0x19: {  	s15 =	smov.u32 s2;
	p2 =	slt.s32 s13, s3  }
0x1a: {  	s15 =	smov.u32 @p2 s13;
	p2 =	sne.s32 s12, s10  }
.Ltmp1:
0x1b: {  	p1 =	slt.u32 s12, $0x2;
	(pc) =	sbr.rel @!p2 .LBB2_8-.Ltmp1, $4  }
0x1c: {  	s14 =	simm.s32 @!p1 $0x3  }
0x1d: {  	s16 =	sadd.s32 $0x1, s12;
	_ =	swait.ge @!p1 [sflag:s14], $0x2800  }
0x1e: {  	p0 =	por !p0, !p0;
	s13 =	smov.u32 s11;
	[sflag:s14] =	ssyncset.done @!p1 $0x0  }
0x1f: {  	s12 =	smov.u32 s16;
	s11 =	smov.u32 s15;
	[sflag:s14] =	ssyncadd.s32 @!p1 $0xFFFFD800  }
.LBB2_1:
0x20: {  	p1 =	sge.u32 s12, s8  }
0x21: {  	s14 =	sxor.u32 @!p1 $0xFFFFFFFF, s12  }
0x22: {  	s14 =	sand.u32 @!p1 $0x1, s14  }
0x23: {  	s14 =	smul.u32 @!p1 $0x140, s14  }
0x24: {  	s31 =	sadd.s32 $0xFFFFFFFF, s12;
	s15 =	sshrl.u32 @!p1 s11, $0x3  }
0x25: {  	s16 =	sand.u32 @!p1 $0x7, s11;
	s15 =	sadd.s32 @!p1 s5, s15;
	s14 =	sshrl.u32 @!p1 s14, $0x2  }
0x26: {  	[tilespmem:s14], [sflag:$0x2] =	stream.linear.gather @!p1 [hbm4b:s15+s16], $0x50, $0x38;
	[tilespmem:$0x50A0] =	vst v63  }
0x27: {  	p1 =	sge.u32 s31, s8  }
.Ltmp2:
0x28: {  	_ = 	snop;
	(pc) =	sbr.rel @p1 .LBB2_7-.Ltmp2, $1  }
0x29: {  	_ =	sdelay $0x3  }
0x2a: {  	s14 =	simm.s32 $0x1  }
0x2b: {  	s14 =	simm.s32 @!p0 $0x0  }
0x2c: {  	s15 =	smul.u32 $0x140, s14  }
0x2d: {  	_ =	swait.ge [sflag:s7], $0x50  }
0x2e: {  	[sflag:s7] =	ssyncset.done $0x0;
	s16 =	sshrl.u32 s15, $0x2  }
0x2f: {  	[sflag:s7] =	ssyncadd.s32 $0xFFFFFFB0;
	s15 =	sadd.s32 $0x0, s16  }
0x30: {  	v0 =	vld.msk [tilespmem:s15+$0x0 ss:$0x1], $0xffff;
	_ =	sdelay $0x4  }
0x31: {  	vm2 =	vgt.s32 v0, $0x0  }
0x32: {  	v0 =	vnsel vm2, $0x0, v0  }
0x33: {  	v0 =	vmin.u32 v0, $0x30D3F  }
0x34: {  	v0 =	vshll.u32 v0, $0x4  }
0x35: {  	s14 =	smul.u32 $0xA000, s14;
	_ =	sdelay $0x1  }
0x36: {  	s14 =	sshrl.u32 s14, $0x2  }
0x37: {  	s14 =	sor.u32 $0xA0, s14  }
0x38: {  	[tilespmem:s14], [sflag:$0x1] =	stream.indirect_vreg.gather [hbm:s4], $0x80, v0, vm0, $0x38;
	[tilespmem:$0x50A0] =	vst v63  }
0x39: {  	s17 =	sadd.s32 $0x10, s16;
	s15 =	sadd.s32 $0x400, s14  }
0x3a: {  	[tilespmem:s15], [sflag:$0x1] =	stream.indirect_vreg.gather [hbm:s4], $0x80, v0, vm1, $0x38;
	[tilespmem:$0x50A0] =	vst v63  }
0x3b: {  	s18 =	simm.s32 $0x80;
	v0 =	vld.msk [tilespmem:s17+$0x0 ss:$0x1], $0xffff;
	s17 =	smov.u32 s14  }
.LBB2_3:
0x3c: {  	p1 =	sne.s32 s18, $0x100;
	_ =	sdelay $0x4  }
0x3d: {  	vm2 =	vgt.s32 v0, $0x0  }
0x3e: {  	v0 =	vnsel vm2, $0x0, v0  }
0x3f: {  	v0 =	vmin.u32 v0, $0x30D3F  }
0x40: {  	v0 =	vshll.u32 v0, $0x4;
	_ =	sdelay $0x3  }
.Ltmp3:
0x41: {  	s19 =	sshra.s32 s18, $0x2;
	s17 =	sadd.s32 $0x800, s17;
	(pc) =	sbr.rel @p1 .LBB2_3-.Ltmp3, $4  }
0x42: {  	[tilespmem:s17], [sflag:$0x1] =	stream.indirect_vreg.gather [hbm:s4], $0x80, v0, vm0, $0x38;
	[tilespmem:$0x50A0] =	vst v63  }
0x43: {  	s19 =	sadd.s32 s19, s16;
	s20 =	sadd.s32 $0x400, s17  }
0x44: {  	[tilespmem:s20], [sflag:$0x1] =	stream.indirect_vreg.gather [hbm:s4], $0x80, v0, vm1, $0x38;
	[tilespmem:$0x50A0] =	vst v63  }
0x45: {  	s18 =	sadd.s32 $0x40, s18;
	v0 =	vld.msk [tilespmem:s19+$0x0 ss:$0x1], $0xffff  }
0x46: {  	_ =	sdelay $0x3  }
0x47: {  	vm2 =	vgt.s32 v0, $0x0  }
0x48: {  	v0 =	vnsel vm2, $0x0, v0  }
0x49: {  	v0 =	vmin.u32 v0, $0x30D3F  }
0x4a: {  	v0 =	vshll.u32 v0, $0x4;
	_ =	sdelay $0x3  }
0x4b: {  	s16 =	sadd.s32 $0x800, s17  }
0x4c: {  	[tilespmem:s16], [sflag:$0x1] =	stream.indirect_vreg.gather [hbm:s4], $0x80, v0, vm0, $0x38;
	[tilespmem:$0x50A0] =	vst v63  }
0x4d: {  	s16 =	sadd.s32 $0x400, s16  }
0x4e: {  	[tilespmem:s16], [sflag:$0x1] =	stream.indirect_vreg.gather [hbm:s4], $0x80, v0, vm1, $0x38;
	[tilespmem:$0x50A0] =	vst v63  }
0x4f: {  	s13 =	sshll.u32 s13, $0x4;
	_ =	swait.ge [sflag:s6], $0x2800  }
0x50: {  	s13 =	sadd.s32 s13, s9;
	[sflag:s6] =	ssyncset.done $0x0  }
0x51: {  	s17 =	sadd.s32 $0x0, s13;
	s16 =	simm.s32 $0x80;
	[sflag:s6] =	ssyncadd.s32 $0xFFFFD800  }
.LBB2_5:
0x52: {  	[hbm:s17] =	stream.linear.scatter [tilespmem:s14], [sflag:$0x3], $0x400, $0x38;
	[tilespmem:$0x50A0] =	vst v63  }
0x53: {  	s17 =	smov.u32 s16;
	s14 =	smov.u32 s15;
	p1 =	sne.s32 s16, $0x480  }
.Ltmp4:
0x54: {  	s16 =	sadd.s32 $0x80, s16;
	(pc) =	sbr.rel @p1 .LBB2_5-.Ltmp4, $2  }
0x55: {  	_ =	sdelay $0x2  }
0x56: {  	s15 =	sadd.s32 $0x400, s15;
	s17 =	sadd.s32 s17, s13  }
.Ltmp5:
0x57: {  	_ = 	snop;
	(pc) =	sbr.rel .LBB2_6-.Ltmp5, $1  }
0x58: {  	_ =	sdelay $0x3  }
.LBB2_8:
0x59: {  	_ =	sfence.sel $0x180000  }
0x5a: {  	s2 =	simm.s32 $0x2;
	[bflag:$0x0] =	sbarrier.arrive $0xFFFF  }
0x5b: {  	s30 =	simm.s32 $0x3;
	[sflag:s2] =	ssyncpa.u1 $0x1  }
0x5c: {  	s31 =	simm.s32 $0x1;
	[sflag:s30] =	ssyncpa.u1 $0x1  }
0x5d: {  	[sflag:s31] =	ssyncpa.u1 $0x1  }
0x5e: {  	p0 =	sne.s32 s0, $0x0;
	_ =	strace $0x9000004A  }
0x5f: {  	s0 =	sadd.s32 @!p0 $0x100000, s1;
	[bflag:$0x2] =	sbarrier.arrive $0xFFFF  }
0x60: {  	[sflag:s0] =	ssyncadd.tile.s32 @!p0 $0x1;
	_ =	shalt  }
.Lfunc_end2:
_tile_overlayer_lowered:
.L_overlay_start_2:
0x61: {  	(tag) =	ssettag $0x2  }
0x62: {  	s0 =	rddreg [dreg:$0x0];
	s2 =	stileid.u32  }
0x63: {  	s1 =	rddreg [dreg:$0x1];
	p0 =	sne.s32 s2, $0x0  }
0x64: {  	s3 =	rddreg [dreg:$0x2];
	[bflag:$0x3] =	sbarrier.arrive $0xFFFF;
	s2 =	simm.s32 @!p0 $0x1C01  }
0x65: {  	[timem:s3], [sflag:s2] =	dma.local @!p0 [hbm:s0], s1  }
0x66: {  	s0 =	simm.s32 @!p0 $0x1  }
0x67: {  	_ =	swait.ge @!p0 [sflag:s0], s1  }
0x68: {  	s1 =	ssub.s32 @!p0 $0x0, s1;
	[sflag:s0] =	ssyncset.done @!p0 $0x0  }
0x69: {  	[sflag:s0] =	ssyncadd.s32 @!p0 s1  }
0x6a: {  	[bflag:$0x3] =	sbarrier.arrive $0xFFFF  }
0x6b: {  	_ =	shalt  }

// kernel: gather_offload_async_start.3
scs
__scs_entry_jumppad:
0x0: {  	(pc) =	sbr.rel $0x88, $3  }
0x1: {  	(tag) =	ssettag $0x0;
	lr =	simm.s32 $0x1  }
0x2: {  	[smem:$0x3F9E] =	sst lr;
	_ =	strace $0xD0000000  }
0x3: {  	_ = 	snop  }
0x4: {  	_ = 	snop  }
0x5: {  	_ = 	snop  }
0x6: {  	_ = 	snop  }
0x7: {  	_ = 	snop  }
__scs_overlays_trampoline_lowered:
0x8: {  	[smem:$0x3FAD] =	sst s0  }
0x9: {  	[smem:$0x3FAE] =	sst s1  }
0xa: {  	[smem:$0x3FAF] =	sst s2  }
0xb: {  	[smem:$0x3FB0] =	sst s3  }
0xc: {  	[smem:$0x3FB1] =	sst s4  }
0xd: {  	[smem:$0x3FB2] =	sst s5  }
0xe: {  	[smem:$0x3FB3] =	sst s6  }
0xf: {  	[smem:$0x3FB4] =	sst s7  }
0x10: {  	[smem:$0x3FB5] =	sst s8  }
0x11: {  	[smem:$0x3FB6] =	sst s9;
	s0 =	simm.s32 @!p0 $0x0  }
0x12: {  	s1 =	sld [smem:$0x3F9C];
	s0 =	simm.s32 @p0 $0x1  }
0x13: {  	[smem:$0x3FB7] =	sst s0;
	s0 =	simm.s32 @!p1 $0x0  }
0x14: {  	s2 =	sld [smem:$0x3F9B];
	s0 =	simm.s32 @p1 $0x1  }
0x15: {  	[smem:$0x3FB8] =	sst s0;
	s0 =	simm.s32 @!p2 $0x0  }
0x16: {  	s3 =	sld [smem:$0x3FDB];
	s0 =	simm.s32 @p2 $0x1  }
0x17: {  	s4 =	simm.s32 $0x1BF5;
	[smem:$0x3FBA] =	sst s0  }
0x18: {  	s0 =	sld [smem:$0x3F9D];
	_ =	swait.ge [sflag:s4], $0x0  }
0x19: {  	s7 =	sld [smem:$0x3F9E]  }
0x1a: {  	s8 =	sadd.s32 $0xFFFFE003, lr  }
0x1b: {  	s9 =	sadd.s32 $0xFFFFFEF7, lr;
	s5 =	simm.s32 $0xFFFFFFFF;
	p2 =	slt.u32 s8, $0xFFFFF086  }
0x1c: {  	p1 =	slt.u32 s9, $0xF7A;
	s5 =	simm.s32 @!p2 $0x0  }
0x1d: {  	s5 =	simm.s32 @p1 $0x1;
	p0 =	seq.s32 s7, s2  }
0x1e: {  	s7 =	smul.u32 @!p0 $0xF7A, s2;
	p2 =	seq.s32 @!p0 s5, $0x0  }
0x1f: {  	s9 =	smul.u32 $0xF7A, s1;
	s8 =	simm.s32 @!p0 $0x1BF5;
	p2 =	por !p2, p0  }
0x20: {  	[sflag:s8] =	ssyncset.s32 @!p0 $0xFFFFF086;
	s6 =	sadd.s32 @!p0 s3, s7;
	s7 =	simm.s32 @!p0 $0x108  }
0x21: {  	s3 =	sadd.s32 s3, s9;
	s6 =	sadd.s32 @!p0 $0x88, s6;
	s7 =	simm.s32 @p2 $0x1082  }
0x22: {  	[simem:s7], [sflag:s8] =	dma.local @!p0 [hbm:s6], $0xF7A  }
0x23: {  	s9 =	sor.u32 $0xD0000000, s2;
	s6 =	simm.s32 $0x108;
	_ =	swait.ge @!p0 [sflag:s8], $0x0  }
0x24: {  	s3 =	sadd.s32 $0x88, s3;
	s6 =	simm.s32 @!p1 $0x1082;
	[sflag:s4] =	ssyncset.s32 $0xFFFFF086  }
0x25: {  	[simem:s6], [sflag:s4] =	dma.local [hbm:s3], $0xF7A  }
0x26: {  	[smem:$0x3F9E] =	sst s1;
	(tag) =	ssettag s2;
	_ =	strace s9  }
0x27: {  	s1 =	sld [smem:$0x3FAE]  }
0x28: {  	s2 =	sld [smem:$0x3FAF]  }
0x29: {  	s4 =	sld [smem:$0x3FB1]  }
0x2a: {  	p0 =	seq.s32 s5, $0x0;
	s5 =	sld [smem:$0x3FB2]  }
0x2b: {  	s6 =	sld [smem:$0x3FB3]  }
0x2c: {  	s7 =	sld [smem:$0x3FB4]  }
0x2d: {  	s3 =	simm.s32 $0x108;
	s8 =	sld [smem:$0x3FB5]  }
0x2e: {  	s3 =	simm.s32 @!p0 $0x1082;
	s9 =	sld [smem:$0x3FB6]  }
0x2f: {  	lr =	sadd.s32 s0, s3;
	s0 =	sld [smem:$0x3FAD]  }
0x30: {  	s3 =	sld [smem:$0x3FB0]  }
0x31: {  	[smem:$0x3FB9] =	sst s10  }
0x32: {  	s10 =	sld [smem:$0x3FB7];
	_ =	sdelay $0x3  }
0x33: {  	p0 =	seq.s32 s10, $0x1;
	s10 =	sld [smem:$0x3FB9];
	_ =	sdelay $0x3  }
0x34: {  	[smem:$0x3FB9] =	sst s10  }
0x35: {  	s10 =	sld [smem:$0x3FB8];
	_ =	sdelay $0x3  }
0x36: {  	p1 =	seq.s32 s10, $0x1;
	s10 =	sld [smem:$0x3FB9];
	_ =	sdelay $0x3  }
0x37: {  	[smem:$0x3FB9] =	sst s10  }
0x38: {  	s10 =	sld [smem:$0x3FBA]  }
0x39: {  	_ = 	snop;
	(pc) =	sbr.ind lr, $3  }
0x3a: {  	_ = 	snop  }
0x3b: {  	_ = 	snop  }
0x3c: {  	p2 =	seq.s32 s10, $0x1;
	s10 =	sld [smem:$0x3FB9]  }
0x3d: {  	_ =	shalt  }
0x3e: {  	_ =	shalt  }
0x3f: {  	_ =	shalt  }
0x40: {  	_ =	shalt  }
0x41: {  	_ =	shalt  }
0x42: {  	_ =	shalt  }
0x43: {  	_ =	shalt  }
0x44: {  	_ =	shalt  }
0x45: {  	_ =	shalt  }
0x46: {  	_ =	shalt  }
0x47: {  	_ =	shalt  }
0x48: {  	_ =	shalt  }
0x49: {  	_ =	shalt  }
0x4a: {  	_ =	shalt  }
0x4b: {  	_ =	shalt  }
0x4c: {  	_ =	shalt  }
0x4d: {  	_ =	shalt  }
0x4e: {  	_ =	shalt  }
0x4f: {  	_ =	shalt  }
0x50: {  	_ =	shalt  }
0x51: {  	_ =	shalt  }
0x52: {  	_ =	shalt  }
0x53: {  	_ =	shalt  }
0x54: {  	_ =	shalt  }
0x55: {  	_ =	shalt  }
0x56: {  	_ =	shalt  }
0x57: {  	_ =	shalt  }
0x58: {  	_ =	shalt  }
0x59: {  	_ =	shalt  }
0x5a: {  	_ =	shalt  }
0x5b: {  	_ =	shalt  }
0x5c: {  	_ =	shalt  }
0x5d: {  	_ =	shalt  }
0x5e: {  	_ =	shalt  }
0x5f: {  	_ =	shalt  }
0x60: {  	_ =	shalt  }
0x61: {  	_ =	shalt  }
0x62: {  	_ =	shalt  }
0x63: {  	_ =	shalt  }
0x64: {  	_ =	shalt  }
0x65: {  	_ =	shalt  }
0x66: {  	_ =	shalt  }
0x67: {  	_ =	shalt  }
0x68: {  	_ =	shalt  }
0x69: {  	_ =	shalt  }
0x6a: {  	_ =	shalt  }
0x6b: {  	_ =	shalt  }
0x6c: {  	_ =	shalt  }
0x6d: {  	_ =	shalt  }
0x6e: {  	_ =	shalt  }
0x6f: {  	_ =	shalt  }
0x70: {  	_ =	shalt  }
0x71: {  	_ =	shalt  }
0x72: {  	_ =	shalt  }
0x73: {  	_ =	shalt  }
0x74: {  	_ =	shalt  }
0x75: {  	_ =	shalt  }
0x76: {  	_ =	shalt  }
0x77: {  	_ =	shalt  }
0x78: {  	_ =	shalt  }
0x79: {  	_ =	shalt  }
0x7a: {  	_ =	shalt  }
0x7b: {  	_ =	shalt  }
0x7c: {  	_ =	shalt  }
0x7d: {  	_ =	shalt  }
0x7e: {  	_ =	shalt  }
0x7f: {  	_ =	shalt  }
0x80: {  	_ =	shalt  }
0x81: {  	_ =	shalt  }
0x82: {  	_ =	shalt  }
0x83: {  	_ =	shalt  }
0x84: {  	_ =	shalt  }
0x85: {  	_ =	shalt  }
0x86: {  	_ =	shalt  }
0x87: {  	_ =	shalt  }
.Lfunc_end0:
.L_simem_size_0:
called_computation.3_lowered:
.L_overlay_start_0:
0x88: {  	s2 =	sld [smem:$0x3FD9]  }
0x89: {  	s3 =	sld [smem:$0x3FFE];
	_ =	sdelay $0x1  }
0x8a: {  	s1 =	srdreg.scid  }
0x8b: {  	s0 =	sand.u32 $0x1, s1  }
0x8c: {  	s17 =	sshll.u32 s0, $0xA;
	s2 =	sadd.s32 s3, s2  }
0x8d: {  	s2 =	sadd.s32 s2, s17  }
0x8e: {  	[smem:$0x3FC5] =	sst s2  }
0x8f: {  	_ = 	snop  }
0x90: {  	(tm) =	ssettm $0x1  }
0x91: {  	s18 =	sld [smem:$0x3FFB];
	_ =	sdelay $0x3  }
0x92: {  	_ =	strace s18  }
0x93: {  	s2 =	sld [smem:$0x3FFC];
	_ =	sdelay $0x3  }
0x94: {  	_ =	strace s2  }
0x95: {  	s2 =	sld [smem:$0x3FFD];
	_ =	sdelay $0x3  }
0x96: {  	_ =	strace s2  }
0x97: {  	_ =	strace $0x8FFFFFFF  }
0x98: {  	s19 =	sld [smem:$0x3FDB];
	_ =	sdelay $0x1  }
0x99: {  	s20 =	simm.s32 $_scs_section_size  }
0x9a: {  	s4 =	simm.s32 $_size__tile_overlayer_lowered;
	s5 =	simm.s32 $_tile_overlayer_lowered  }
0x9b: {  	s6 =	simm.s32 $0x1BFF;
	s21 =	sshll.u32 s5, $0x1;
	s3 =	sadd.s32 s20, s19  }
0x9c: {  	s22 =	simm.s32 $0x0;
	s4 =	sshll.u32 s4, $0x1;
	s5 =	sadd.s32 s21, s3  }
0x9d: {  	[timem:s22], [sflag:s6] =	dma.local [hbm:s5], s4  }
0x9e: {  	_ =	swait.ge [sflag:s6], s4  }
0x9f: {  	s4 =	ssub.s32 $0x0, s4;
	[sflag:s6] =	ssyncset.done $0x0  }
0xa0: {  	[sflag:s6] =	ssyncadd.s32 s4;
	_ =	sdelay $0x1  }
0xa1: {  	s23 =	simm.s32 $0x1B8B  }
0xa2: {  	_ =	swait.ge [sflag:s23], $0x1  }
0xa3: {  	[sflag:s23] =	ssyncset.done $0x0  }
0xa4: {  	[sflag:s23] =	ssyncadd.s32 $0xFFFFFFFF  }
0xa5: {  	s4 =	sld [smem:$0x0]  }
0xa6: {  	s5 =	sand.u32 $0xFFFFFFFE, s1  }
0xa7: {  	p0 =	sne.s32 s1, s5  }
0xa8: {  	s5 =	sshll.u32 @p0 s5, $0xE  }
0xa9: {  	s5 =	sadd.s32 @p0 $0x11B8D, s5;
	s6 =	sshll.u32 @p0 s4, $0x11  }
0xaa: {  	s5 =	sor.u32 @p0 s6, s5  }
0xab: {  	[sflag:s5] =	ssyncadd.remote.s32 @p0 $0x1;
	_ =	sdelay $0x1  }
0xac: {  	s5 =	simm.s32 @p0 $0x1B8D  }
0xad: {  	_ =	swait.eq @p0 [sflag:s5], $0x1  }
0xae: {  	[sflag:s5] =	ssyncadd.s32 @p0 $0xFFFFFFFF  }
0xaf: {  	s6 =	sshll.u32 @!p0 s1, $0xE  }
0xb0: {  	s6 =	sor.u32 @!p0 $0x4000, s6;
	s5 =	simm.s32 @!p0 $0x1B8D  }
0xb1: {  	s4 =	sshll.u32 @!p0 s4, $0x11;
	s6 =	sadd.s32 @!p0 $0x11B8D, s6;
	_ =	swait.eq @!p0 [sflag:s5], $0x1  }
0xb2: {  	s4 =	sor.u32 @!p0 s4, s6;
	[sflag:s5] =	ssyncadd.s32 @!p0 $0xFFFFFFFF  }
0xb3: {  	s25 =	simm.s32 $0x1B8E;
	s24 =	sld [smem:$0x3FFE];
	[sflag:s4] =	ssyncadd.remote.s32 @!p0 $0x1  }
0xb4: {  	s26 =	simm.s32 $execute0_lowered;
	[smem:$0x3FD2] =	sst s25  }
0xb5: {  	s5 =	sshll.u32 s26, $0x1;
	_ =	strace $0x8000004F;
	[dreg:$0x1] =	wrdreg $0xFFFFFFFF  }
0xb6: {  	s28 =	simm.s32 $_size_execute0_lowered;
	s3 =	sadd.s32 s3, s5;
	[dreg:$0x0] =	wrdreg $0x0  }
0xb7: {  	s5 =	sshll.u32 s28, $0x1;
	[dreg:$0x2] =	wrdreg s3  }
0xb8: {  	[dreg:$0x3] =	wrdreg s5  }
0xb9: {  	[dreg:$0x4] =	wrdreg $0xC0  }
0xba: {  	_ =	task [dreg:s22], $0x5FFFF  }
0xbb: {  	[dreg:$0x1] =	wrdreg $0xFFFFFFFF  }
0xbc: {  	[dreg:$0x0] =	wrdreg $0x60  }
0xbd: {  	[dreg:$0x2] =	wrdreg s24  }
0xbe: {  	[dreg:$0x3] =	wrdreg $0xA  }
0xbf: {  	_ =	task.clear_ibuf [dreg:s22], $0x4FFFF;
	_ =	strace $0x9000004F  }
0xc0: {  	s29 =	simm.s32 $0xA;
	_ =	strace $0x80000051  }
0xc1: {  	_ =	swait.ge [sflag:s29], $0x1  }
0xc2: {  	[sflag:s29] =	ssyncadd.s32 $0xFFFFFFFF  }
0xc3: {  	_ =	strace $0x90000051  }
0xc4: {  	_ =	sfence  }
0xc5: {  	s30 =	sld [smem:$0x0];
	_ =	sdelay $0x2  }
0xc6: {  	s31 =	sshll.u32 s1, $0xD;
	s1 =	sshrl.u32 s1, $0x2  }
0xc7: {  	s4 =	sand.u32 $0x4000, s31;
	s1 =	sadd.s32 s1, s30  }
0xc8: {  	s0 =	sor.u32 s4, s0;
	s1 =	sshll.u32 s1, $0x11  }
0xc9: {  	s0 =	sor.u32 s1, s0  }
0xca: {  	s0 =	sadd.s32 $0x8F2B, s0  }
0xcb: {  	[sflag:s0] =	ssyncadd.remote.s32 $0x1  }
0xcc: {  	_ =	sfence.sel $0xFFFF  }
0xcd: {  	[dreg:$0x0] =	wrdreg $0xFFFFFFFF;
	(pc) =	sbr.abs _section_cstart, $3  }
0xce: {  	[dreg:$0x1] =	wrdreg $0xFFFFFFFF  }
0xcf: {  	_ =	task.clear_ibuf [dreg:s22], $0x2FFFF;
	_ =	strace $0x9FFFFFFF  }
0xd0: {  	(tm) =	ssettm $0x7FFFFFFF  }
0xd1: {  	_ =	shalt  }
tec
execute0_lowered:
.L_overlay_start_1:
0x0: {  	(tag) =	ssettag $0x1  }
0x1: {  	s0 =	srdreg.scid;
	s5 =	rddreg [dreg:$0x0]  }
0x2: {  	s1 =	stileid.u32;
	s6 =	simm.s32 $0x1;
	s9 =	simm.s32 $0x1  }
0x3: {  	s10 =	simm.s32 $0x3;
	s13 =	simm.s32 $0x0;
	s2 =	sshll.u32 s0, $0x6  }
0x4: {  	s12 =	simm.s32 $0x0;
	s3 =	sshll.u32 s1, $0x7;
	s4 =	sand.u32 $0x40, s2  }
0x5: {  	s0 =	rddreg [dreg:$0x1];
	_ =	strace $0x80000050;
	s3 =	sor.u32 s3, s4  }
0x6: {  	s2 =	sadd.s32 $0x30D600, s5;
	[sflag:s6] =	ssyncpa.u1 $0x0;
	s8 =	ssub.s32 $0x1000, s3  }
.Ltmp0:
0x7: {  	s4 =	sadd.s32 $0x31D800, s5;
	s7 =	sand.u32 $0x7C0, s8;
	(pc) =	sbr.rel .LBB2_1-.Ltmp0, $4  }
0x8: {  	s5 =	sadd.s32 $0x31DC00, s5;
	s11 =	smov.u32 s3;
	p0 =	sne.s32 s7, $0x0  }
0x9: {  	s8 =	sshrl.u32 s8, $0xB;
	s7 =	simm.s32 $0x2;
	s9 =	simm.s32 @!p0 $0x0  }
0xa: {  	[sflag:s7] =	ssyncpa.u1 $0x0;
	p0 =	por $0x0, $0x0;
	s8 =	sadd.s32 s9, s8  }
0xb: {  	vm0 =	vmmov $0xffff;
	[sflag:s10] =	ssyncpa.u1 $0x0;
	s10 =	simm.s32 $0x0;
	s9 =	sadd.s32 $0x1, s8  }
.LBB2_4:
0xc: {  	vm1 =	veq.s32 v1, $0x80000000;
	v2 =	vand.u32 $0x7FF, v2  }
0xd: {  	v63 =	vand.u32 $0x1, v1;
	v2 =	vsel vm1, $0xFFFFFFFF, v2  }
0xe: {  	v1 =	vsel vm1, $0xFFFFFFFF, v63;
	v3 =	vshll.u32 v2, $0x1  }
0xf: {  	v4 =	vand.u32 $0xFFFFF000, v1;
	v1 =	vshll.u32 v1, $0x7;
	v3 =	vand.u32 $0xFFFFFF00, v3  }
0x10: {  	v1 =	vand.u32 $0x80, v1;
	v3 =	vadd.s32 v4, v3  }
0x11: {  	v2 =	vand.u32 $0x7F, v2;
	v1 =	vor.u32 v1, v3  }
0x12: {  	v1 =	vor.u32 v2, v1;
	_ =	sdelay $0x1  }
0x13: {  	(ifvalue) =	ssetifvalue $0x7FFFFFFF;
	s14 =	sadd.s32 $0x10, s14  }
0x14: {  	[tilespmem:s14], [sflag:$0x1] =	stream.indirect_vreg.gather [hbm4b:s2+s10], $0x1, v0, vm0, $0x4038;
	[tilespmem:$0x100] =	vst v63  }
0x15: {  	(ifvalue) =	ssetifvalue $0x7FFFFFFF;
	s14 =	sadd.s32 $0x10, s14  }
0x16: {  	[tilespmem:s14], [sflag:$0x1] =	stream.indirect_vreg.gather [hbm4b:s2+s10], $0x1, v1, vm0, $0x4038;
	[tilespmem:$0x100] =	vst v63  }
0x17: {  	_ =	swait.ge [sflag:s6], $0x40  }
0x18: {  	s30 =	sshrl.u32 s13, $0x3;
	[sflag:s6] =	ssyncset.done $0x0  }
0x19: {  	s31 =	sand.u32 $0x7, s13;
	s14 =	sadd.s32 s5, s30;
	[sflag:s6] =	ssyncadd.s32 $0xFFFFFFC0  }
0x1a: {  	[hbm4b:s14+s31] =	stream.linear.scatter [tilespmem:s15], [sflag:$0x3], $0x40, $0x38;
	[tilespmem:$0x100] =	vst v63  }
.LBB2_5:
0x1b: {  	s15 =	sadd.s32 $0x800, s11  }
0x1c: {  	p2 =	sgt.s32 s15, $0xFFF  }
0x1d: {  	s15 =	smov.u32 @p2 s3;
	p2 =	sne.s32 s12, s9  }
.Ltmp1:
0x1e: {  	p1 =	slt.u32 s12, $0x2;
	(pc) =	sbr.rel @!p2 .LBB2_6-.Ltmp1, $4  }
0x1f: {  	s14 =	simm.s32 @!p1 $0x3  }
0x20: {  	s16 =	sadd.s32 $0x1, s12;
	_ =	swait.ge @!p1 [sflag:s14], $0x40  }
0x21: {  	s13 =	smov.u32 s11;
	p0 =	por !p0, !p0;
	[sflag:s14] =	ssyncset.done @!p1 $0x0  }
0x22: {  	s12 =	smov.u32 s16;
	s11 =	smov.u32 s15;
	[sflag:s14] =	ssyncadd.s32 @!p1 $0xFFFFFFC0  }
.LBB2_1:
0x23: {  	p1 =	sge.u32 s12, s8  }
0x24: {  	s14 =	sxor.u32 @!p1 $0xFFFFFFFF, s12  }
0x25: {  	s31 =	sadd.s32 $0xFFFFFFFF, s12;
	s15 =	sshrl.u32 @!p1 s11, $0x3;
	s14 =	sshll.u32 @!p1 s14, $0x6  }
0x26: {  	s16 =	sand.u32 @!p1 $0x7, s11;
	s15 =	sadd.s32 @!p1 s4, s15;
	s14 =	sand.u32 @!p1 $0x40, s14  }
0x27: {  	[tilespmem:s14], [sflag:$0x2] =	stream.linear.gather @!p1 [hbm4b:s15+s16], $0x40, $0x38;
	[tilespmem:$0x100] =	vst v63  }
0x28: {  	p1 =	sge.u32 s31, s8  }
.Ltmp2:
0x29: {  	_ = 	snop;
	(pc) =	sbr.rel @p1 .LBB2_5-.Ltmp2, $1  }
0x2a: {  	_ =	sdelay $0x3  }
0x2b: {  	s14 =	simm.s32 $0x1  }
0x2c: {  	_ =	swait.ge [sflag:s7], $0x40;
	s14 =	simm.s32 @!p0 $0x0  }
0x2d: {  	[sflag:s7] =	ssyncset.done $0x0;
	s14 =	sshll.u32 s14, $0x6  }
0x2e: {  	[sflag:s7] =	ssyncadd.s32 $0xFFFFFFC0;
	(ifvalue) =	ssetifvalue $0x7FFFFFFF;
	v0 =	vld.msk [tilespmem:s14+$0x0 ss:$0x1], $0xffff;
	_ =	sdelay $0x4  }
0x2f: {  	s15 =	sadd.s32 $0x10, s14;
	v1 =	vshrl.u32 v0, $0x1  }
0x30: {  	v2 =	vld.msk [tilespmem:s15+$0x0 ss:$0x1], $0xffff;
	vm1 =	veq.s32 v0, $0x80000000;
	v1 =	vand.u32 $0x7FF, v1  }
0x31: {  	v0 =	vand.u32 $0x1, v0;
	v1 =	vsel vm1, $0xFFFFFFFF, v1  }
0x32: {  	v0 =	vsel vm1, $0xFFFFFFFF, v0;
	v3 =	vshll.u32 v1, $0x1  }
0x33: {  	v4 =	vand.u32 $0xFFFFF000, v0;
	v0 =	vshll.u32 v0, $0x7;
	v3 =	vand.u32 $0xFFFFFF00, v3  }
0x34: {  	v0 =	vand.u32 $0x80, v0;
	v3 =	vadd.s32 v4, v3  }
0x35: {  	v1 =	vand.u32 $0x7F, v1;
	v0 =	vor.u32 v0, v3;
	v3 =	vshrl.u32 v2, $0x1  }
0x36: {  	s17 =	sadd.s32 $0x10, s15;
	vm1 =	veq.s32 v2, $0x80000000;
	v0 =	vor.u32 v1, v0;
	v3 =	vand.u32 $0x7FF, v3  }
0x37: {  	v2 =	vand.u32 $0x1, v2;
	v1 =	vld.msk [tilespmem:s17+$0x0 ss:$0x1], $0xffff;
	v3 =	vsel vm1, $0xFFFFFFFF, v3  }
0x38: {  	v2 =	vsel vm1, $0xFFFFFFFF, v2;
	v63 =	vshll.u32 v3, $0x1  }
0x39: {  	s31 =	sshll.u32 s12, $0x6;
	v5 =	vand.u32 $0xFFFFF000, v2;
	v2 =	vshll.u32 v2, $0x7;
	v4 =	vand.u32 $0xFFFFFF00, v63  }
0x3a: {  	s14 =	sor.u32 $0x80, s14;
	s15 =	sand.u32 $0x40, s31;
	(ifvalue) =	ssetifvalue $0x7FFFFFFF;
	v2 =	vand.u32 $0x80, v2;
	v4 =	vadd.s32 v5, v4  }
0x3b: {  	[tilespmem:s14], [sflag:$0x1] =	stream.indirect_vreg.gather [hbm4b:s2+s10], $0x1, v0, vm0, $0x4038;
	v0 =	vand.u32 $0x7F, v3;
	v3 =	vor.u32 v2, v4;
	[tilespmem:$0x100] =	vst v63  }
0x3c: {  	s16 =	simm.s32 $0x20;
	s15 =	sor.u32 $0x80, s15;
	s17 =	sadd.s32 $0x10, s17;
	v2 =	vshrl.u32 v1, $0x1;
	v0 =	vor.u32 v0, v3  }
.LBB2_3:
0x3d: {  	v3 =	vld.msk [tilespmem:s17+$0x0 ss:$0x1], $0xffff;
	s16 =	sadd.s32 $0x10, s16;
	vm1 =	veq.s32 v1, $0x80000000;
	v2 =	vand.u32 $0x7FF, v2  }
0x3e: {  	v1 =	vand.u32 $0x1, v1;
	p1 =	slt.u32 s16, $0x30;
	v2 =	vsel vm1, $0xFFFFFFFF, v2  }
.Ltmp3:
0x3f: {  	v1 =	vsel vm1, $0xFFFFFFFF, v1;
	v4 =	vshll.u32 v2, $0x1;
	(pc) =	sbr.rel @p1 .LBB2_3-.Ltmp3, $4  }
0x40: {  	s14 =	sadd.s32 $0x10, s14;
	v5 =	vand.u32 $0xFFFFF000, v1;
	v1 =	vshll.u32 v1, $0x7;
	v4 =	vand.u32 $0xFFFFFF00, v4;
	(ifvalue) =	ssetifvalue $0x7FFFFFFF  }
0x41: {  	v4 =	vadd.s32 v5, v4;
	v5 =	vand.u32 $0x80, v1;
	[tilespmem:s14], [sflag:$0x1] =	stream.indirect_vreg.gather [hbm4b:s2+s10], $0x1, v0, vm0, $0x4038;
	[tilespmem:$0x100] =	vst v63  }
0x42: {  	v0 =	vand.u32 $0x7F, v2;
	v4 =	vor.u32 v5, v4  }
0x43: {  	s17 =	sadd.s32 $0x10, s17;
	v2 =	vshrl.u32 v3, $0x1;
	v1 =	vmov v3;
	v0 =	vor.u32 v0, v4  }
.Ltmp4:
0x44: {  	_ = 	snop;
	(pc) =	sbr.rel .LBB2_4-.Ltmp4, $1  }
0x45: {  	_ =	sdelay $0x3  }
.LBB2_6:
0x46: {  	_ =	sfence.sel $0x180000  }
0x47: {  	s2 =	simm.s32 $0x2;
	[bflag:$0x0] =	sbarrier.arrive $0xFFFF  }
0x48: {  	s30 =	simm.s32 $0x3;
	[sflag:s2] =	ssyncpa.u1 $0x1  }
0x49: {  	s31 =	simm.s32 $0x1;
	[sflag:s30] =	ssyncpa.u1 $0x1  }
0x4a: {  	[sflag:s31] =	ssyncpa.u1 $0x1  }
0x4b: {  	p0 =	sne.s32 s1, $0x0;
	_ =	strace $0x90000050  }
0x4c: {  	s0 =	sadd.s32 @!p0 $0x100000, s0;
	[bflag:$0x2] =	sbarrier.arrive $0xFFFF  }
0x4d: {  	[sflag:s0] =	ssyncadd.tile.s32 @!p0 $0x1;
	_ =	shalt  }
.Lfunc_end2:
_tile_overlayer_lowered:
.L_overlay_start_2:
0x4e: {  	(tag) =	ssettag $0x2  }
0x4f: {  	s0 =	rddreg [dreg:$0x0];
	s2 =	stileid.u32  }
0x50: {  	s1 =	rddreg [dreg:$0x1];
	p0 =	sne.s32 s2, $0x0  }
0x51: {  	s3 =	rddreg [dreg:$0x2];
	[bflag:$0x3] =	sbarrier.arrive $0xFFFF;
	s2 =	simm.s32 @!p0 $0x1C01  }
0x52: {  	[timem:s3], [sflag:s2] =	dma.local @!p0 [hbm:s0], s1  }
0x53: {  	s0 =	simm.s32 @!p0 $0x1  }
0x54: {  	_ =	swait.ge @!p0 [sflag:s0], s1  }
0x55: {  	s1 =	ssub.s32 @!p0 $0x0, s1;
	[sflag:s0] =	ssyncset.done @!p0 $0x0  }
0x56: {  	[sflag:s0] =	ssyncadd.s32 @!p0 s1  }
0x57: {  	[bflag:$0x3] =	sbarrier.arrive $0xFFFF  }
0x58: {  	_ =	shalt  }

// kernel: gather_offload_async_start.4
scs
__scs_entry_jumppad:
0x0: {  	(pc) =	sbr.rel $0x88, $3  }
0x1: {  	(tag) =	ssettag $0x0;
	lr =	simm.s32 $0x1  }
0x2: {  	[smem:$0x3F9E] =	sst lr;
	_ =	strace $0xD0000000  }
0x3: {  	_ = 	snop  }
0x4: {  	_ = 	snop  }
0x5: {  	_ = 	snop  }
0x6: {  	_ = 	snop  }
0x7: {  	_ = 	snop  }
__scs_overlays_trampoline_lowered:
0x8: {  	[smem:$0x3FAD] =	sst s0  }
0x9: {  	[smem:$0x3FAE] =	sst s1  }
0xa: {  	[smem:$0x3FAF] =	sst s2  }
0xb: {  	[smem:$0x3FB0] =	sst s3  }
0xc: {  	[smem:$0x3FB1] =	sst s4  }
0xd: {  	[smem:$0x3FB2] =	sst s5  }
0xe: {  	[smem:$0x3FB3] =	sst s6  }
0xf: {  	[smem:$0x3FB4] =	sst s7  }
0x10: {  	[smem:$0x3FB5] =	sst s8  }
0x11: {  	[smem:$0x3FB6] =	sst s9;
	s0 =	simm.s32 @!p0 $0x0  }
0x12: {  	s1 =	sld [smem:$0x3F9C];
	s0 =	simm.s32 @p0 $0x1  }
0x13: {  	[smem:$0x3FB7] =	sst s0;
	s0 =	simm.s32 @!p1 $0x0  }
0x14: {  	s2 =	sld [smem:$0x3F9B];
	s0 =	simm.s32 @p1 $0x1  }
0x15: {  	[smem:$0x3FB8] =	sst s0;
	s0 =	simm.s32 @!p2 $0x0  }
0x16: {  	s3 =	sld [smem:$0x3FDB];
	s0 =	simm.s32 @p2 $0x1  }
0x17: {  	s4 =	simm.s32 $0x1BF5;
	[smem:$0x3FBA] =	sst s0  }
0x18: {  	s0 =	sld [smem:$0x3F9D];
	_ =	swait.ge [sflag:s4], $0x0  }
0x19: {  	s7 =	sld [smem:$0x3F9E]  }
0x1a: {  	s8 =	sadd.s32 $0xFFFFE003, lr  }
0x1b: {  	s9 =	sadd.s32 $0xFFFFFEF7, lr;
	s5 =	simm.s32 $0xFFFFFFFF;
	p2 =	slt.u32 s8, $0xFFFFF086  }
0x1c: {  	p1 =	slt.u32 s9, $0xF7A;
	s5 =	simm.s32 @!p2 $0x0  }
0x1d: {  	s5 =	simm.s32 @p1 $0x1;
	p0 =	seq.s32 s7, s2  }
0x1e: {  	s7 =	smul.u32 @!p0 $0xF7A, s2;
	p2 =	seq.s32 @!p0 s5, $0x0  }
0x1f: {  	s9 =	smul.u32 $0xF7A, s1;
	s8 =	simm.s32 @!p0 $0x1BF5;
	p2 =	por !p2, p0  }
0x20: {  	[sflag:s8] =	ssyncset.s32 @!p0 $0xFFFFF086;
	s6 =	sadd.s32 @!p0 s3, s7;
	s7 =	simm.s32 @!p0 $0x108  }
0x21: {  	s3 =	sadd.s32 s3, s9;
	s6 =	sadd.s32 @!p0 $0x88, s6;
	s7 =	simm.s32 @p2 $0x1082  }
0x22: {  	[simem:s7], [sflag:s8] =	dma.local @!p0 [hbm:s6], $0xF7A  }
0x23: {  	s9 =	sor.u32 $0xD0000000, s2;
	s6 =	simm.s32 $0x108;
	_ =	swait.ge @!p0 [sflag:s8], $0x0  }
0x24: {  	s3 =	sadd.s32 $0x88, s3;
	s6 =	simm.s32 @!p1 $0x1082;
	[sflag:s4] =	ssyncset.s32 $0xFFFFF086  }
0x25: {  	[simem:s6], [sflag:s4] =	dma.local [hbm:s3], $0xF7A  }
0x26: {  	[smem:$0x3F9E] =	sst s1;
	(tag) =	ssettag s2;
	_ =	strace s9  }
0x27: {  	s1 =	sld [smem:$0x3FAE]  }
0x28: {  	s2 =	sld [smem:$0x3FAF]  }
0x29: {  	s4 =	sld [smem:$0x3FB1]  }
0x2a: {  	p0 =	seq.s32 s5, $0x0;
	s5 =	sld [smem:$0x3FB2]  }
0x2b: {  	s6 =	sld [smem:$0x3FB3]  }
0x2c: {  	s7 =	sld [smem:$0x3FB4]  }
0x2d: {  	s3 =	simm.s32 $0x108;
	s8 =	sld [smem:$0x3FB5]  }
0x2e: {  	s3 =	simm.s32 @!p0 $0x1082;
	s9 =	sld [smem:$0x3FB6]  }
0x2f: {  	lr =	sadd.s32 s0, s3;
	s0 =	sld [smem:$0x3FAD]  }
0x30: {  	s3 =	sld [smem:$0x3FB0]  }
0x31: {  	[smem:$0x3FB9] =	sst s10  }
0x32: {  	s10 =	sld [smem:$0x3FB7];
	_ =	sdelay $0x3  }
0x33: {  	p0 =	seq.s32 s10, $0x1;
	s10 =	sld [smem:$0x3FB9];
	_ =	sdelay $0x3  }
0x34: {  	[smem:$0x3FB9] =	sst s10  }
0x35: {  	s10 =	sld [smem:$0x3FB8];
	_ =	sdelay $0x3  }
0x36: {  	p1 =	seq.s32 s10, $0x1;
	s10 =	sld [smem:$0x3FB9];
	_ =	sdelay $0x3  }
0x37: {  	[smem:$0x3FB9] =	sst s10  }
0x38: {  	s10 =	sld [smem:$0x3FBA]  }
0x39: {  	_ = 	snop;
	(pc) =	sbr.ind lr, $3  }
0x3a: {  	_ = 	snop  }
0x3b: {  	_ = 	snop  }
0x3c: {  	p2 =	seq.s32 s10, $0x1;
	s10 =	sld [smem:$0x3FB9]  }
0x3d: {  	_ =	shalt  }
0x3e: {  	_ =	shalt  }
0x3f: {  	_ =	shalt  }
0x40: {  	_ =	shalt  }
0x41: {  	_ =	shalt  }
0x42: {  	_ =	shalt  }
0x43: {  	_ =	shalt  }
0x44: {  	_ =	shalt  }
0x45: {  	_ =	shalt  }
0x46: {  	_ =	shalt  }
0x47: {  	_ =	shalt  }
0x48: {  	_ =	shalt  }
0x49: {  	_ =	shalt  }
0x4a: {  	_ =	shalt  }
0x4b: {  	_ =	shalt  }
0x4c: {  	_ =	shalt  }
0x4d: {  	_ =	shalt  }
0x4e: {  	_ =	shalt  }
0x4f: {  	_ =	shalt  }
0x50: {  	_ =	shalt  }
0x51: {  	_ =	shalt  }
0x52: {  	_ =	shalt  }
0x53: {  	_ =	shalt  }
0x54: {  	_ =	shalt  }
0x55: {  	_ =	shalt  }
0x56: {  	_ =	shalt  }
0x57: {  	_ =	shalt  }
0x58: {  	_ =	shalt  }
0x59: {  	_ =	shalt  }
0x5a: {  	_ =	shalt  }
0x5b: {  	_ =	shalt  }
0x5c: {  	_ =	shalt  }
0x5d: {  	_ =	shalt  }
0x5e: {  	_ =	shalt  }
0x5f: {  	_ =	shalt  }
0x60: {  	_ =	shalt  }
0x61: {  	_ =	shalt  }
0x62: {  	_ =	shalt  }
0x63: {  	_ =	shalt  }
0x64: {  	_ =	shalt  }
0x65: {  	_ =	shalt  }
0x66: {  	_ =	shalt  }
0x67: {  	_ =	shalt  }
0x68: {  	_ =	shalt  }
0x69: {  	_ =	shalt  }
0x6a: {  	_ =	shalt  }
0x6b: {  	_ =	shalt  }
0x6c: {  	_ =	shalt  }
0x6d: {  	_ =	shalt  }
0x6e: {  	_ =	shalt  }
0x6f: {  	_ =	shalt  }
0x70: {  	_ =	shalt  }
0x71: {  	_ =	shalt  }
0x72: {  	_ =	shalt  }
0x73: {  	_ =	shalt  }
0x74: {  	_ =	shalt  }
0x75: {  	_ =	shalt  }
0x76: {  	_ =	shalt  }
0x77: {  	_ =	shalt  }
0x78: {  	_ =	shalt  }
0x79: {  	_ =	shalt  }
0x7a: {  	_ =	shalt  }
0x7b: {  	_ =	shalt  }
0x7c: {  	_ =	shalt  }
0x7d: {  	_ =	shalt  }
0x7e: {  	_ =	shalt  }
0x7f: {  	_ =	shalt  }
0x80: {  	_ =	shalt  }
0x81: {  	_ =	shalt  }
0x82: {  	_ =	shalt  }
0x83: {  	_ =	shalt  }
0x84: {  	_ =	shalt  }
0x85: {  	_ =	shalt  }
0x86: {  	_ =	shalt  }
0x87: {  	_ =	shalt  }
.Lfunc_end0:
.L_simem_size_0:
called_computation.4_lowered:
.L_overlay_start_0:
0x88: {  	s2 =	sld [smem:$0x3FD9]  }
0x89: {  	s3 =	sld [smem:$0x3FFE];
	_ =	sdelay $0x1  }
0x8a: {  	s1 =	srdreg.scid  }
0x8b: {  	s0 =	sand.u32 $0x1, s1  }
0x8c: {  	s17 =	sshll.u32 s0, $0xA;
	s2 =	sadd.s32 s3, s2  }
0x8d: {  	s2 =	sadd.s32 s2, s17  }
0x8e: {  	[smem:$0x3FC5] =	sst s2  }
0x8f: {  	_ = 	snop  }
0x90: {  	s18 =	sld [smem:$0x3FD0];
	(tm) =	ssettm $0x1  }
0x91: {  	s19 =	sld [smem:$0x3FFB];
	_ =	sdelay $0x3  }
0x92: {  	_ =	strace s19  }
0x93: {  	s2 =	sld [smem:$0x3FFC];
	_ =	sdelay $0x3  }
0x94: {  	_ =	strace s2  }
0x95: {  	s2 =	sld [smem:$0x3FFD];
	_ =	sdelay $0x3  }
0x96: {  	_ =	strace s2  }
0x97: {  	_ =	strace $0x8FFFFFFF  }
0x98: {  	s20 =	sld [smem:$0x3FDB];
	_ =	sdelay $0x1  }
0x99: {  	s4 =	simm.s32 $_scs_section_size  }
0x9a: {  	s5 =	simm.s32 $_size__tile_overlayer_lowered;
	s6 =	simm.s32 $_tile_overlayer_lowered  }
0x9b: {  	s7 =	simm.s32 $0x1BFF;
	s21 =	sshll.u32 s6, $0x1;
	s4 =	sadd.s32 s4, s20  }
0x9c: {  	s22 =	simm.s32 $0x0;
	s5 =	sshll.u32 s5, $0x1;
	s6 =	sadd.s32 s21, s4  }
0x9d: {  	[timem:s22], [sflag:s7] =	dma.local [hbm:s6], s5  }
0x9e: {  	_ =	swait.ge [sflag:s7], s5  }
0x9f: {  	s5 =	ssub.s32 $0x0, s5;
	[sflag:s7] =	ssyncset.done $0x0  }
0xa0: {  	[sflag:s7] =	ssyncadd.s32 s5;
	_ =	sdelay $0x1  }
0xa1: {  	s23 =	simm.s32 $0x1B8B  }
0xa2: {  	_ =	swait.ge [sflag:s23], $0x1  }
0xa3: {  	[sflag:s23] =	ssyncset.done $0x0  }
0xa4: {  	[sflag:s23] =	ssyncadd.s32 $0xFFFFFFFF  }
0xa5: {  	s5 =	sld [smem:$0x0]  }
0xa6: {  	s6 =	sand.u32 $0xFFFFFFFE, s1  }
0xa7: {  	p0 =	sne.s32 s1, s6  }
0xa8: {  	s6 =	sshll.u32 @p0 s6, $0xE  }
0xa9: {  	s6 =	sadd.s32 @p0 $0x11B8D, s6;
	s7 =	sshll.u32 @p0 s5, $0x11  }
0xaa: {  	s6 =	sor.u32 @p0 s7, s6  }
0xab: {  	[sflag:s6] =	ssyncadd.remote.s32 @p0 $0x1;
	_ =	sdelay $0x1  }
0xac: {  	s6 =	simm.s32 @p0 $0x1B8D  }
0xad: {  	_ =	swait.eq @p0 [sflag:s6], $0x1  }
0xae: {  	[sflag:s6] =	ssyncadd.s32 @p0 $0xFFFFFFFF  }
0xaf: {  	s7 =	sshll.u32 @!p0 s1, $0xE  }
0xb0: {  	s7 =	sor.u32 @!p0 $0x4000, s7;
	s6 =	simm.s32 @!p0 $0x1B8D  }
0xb1: {  	s5 =	sshll.u32 @!p0 s5, $0x11;
	s7 =	sadd.s32 @!p0 $0x11B8D, s7;
	_ =	swait.eq @!p0 [sflag:s6], $0x1  }
0xb2: {  	s5 =	sor.u32 @!p0 s5, s7;
	[sflag:s6] =	ssyncadd.s32 @!p0 $0xFFFFFFFF  }
0xb3: {  	s25 =	simm.s32 $0x1B8E;
	s24 =	sld [smem:$0x3FFE];
	[sflag:s5] =	ssyncadd.remote.s32 @!p0 $0x1  }
0xb4: {  	s26 =	simm.s32 $execute0_lowered;
	[smem:$0x3FD2] =	sst s25  }
0xb5: {  	s6 =	sshll.u32 s26, $0x1;
	_ =	strace $0x8000004C;
	[dreg:$0x1] =	wrdreg $0xFFFFFFFF  }
0xb6: {  	s28 =	simm.s32 $_size_execute0_lowered;
	s4 =	sadd.s32 s4, s6;
	[dreg:$0x0] =	wrdreg $0x0  }
0xb7: {  	s6 =	sshll.u32 s28, $0x1;
	[dreg:$0x2] =	wrdreg s4  }
0xb8: {  	[dreg:$0x3] =	wrdreg s6  }
0xb9: {  	[dreg:$0x4] =	wrdreg $0xC0  }
0xba: {  	_ =	task [dreg:s22], $0x5FFFF  }
0xbb: {  	[dreg:$0x1] =	wrdreg $0xFFFFFFFF  }
0xbc: {  	[dreg:$0x0] =	wrdreg $0x60  }
0xbd: {  	[dreg:$0x2] =	wrdreg s18  }
0xbe: {  	[dreg:$0x3] =	wrdreg s24  }
0xbf: {  	[dreg:$0x4] =	wrdreg $0xB  }
0xc0: {  	_ =	task.clear_ibuf [dreg:s22], $0x5FFFF;
	_ =	strace $0x9000004C  }
0xc1: {  	s29 =	simm.s32 $0xB;
	_ =	strace $0x8000004E  }
0xc2: {  	_ =	swait.ge [sflag:s29], $0x1  }
0xc3: {  	[sflag:s29] =	ssyncadd.s32 $0xFFFFFFFF  }
0xc4: {  	_ =	strace $0x9000004E  }
0xc5: {  	_ =	sfence  }
0xc6: {  	s30 =	sld [smem:$0x0];
	_ =	sdelay $0x2  }
0xc7: {  	s31 =	sshll.u32 s1, $0xD;
	s1 =	sshrl.u32 s1, $0x2  }
0xc8: {  	s4 =	sand.u32 $0x4000, s31;
	s1 =	sadd.s32 s1, s30  }
0xc9: {  	s0 =	sor.u32 s4, s0;
	s1 =	sshll.u32 s1, $0x11  }
0xca: {  	s0 =	sor.u32 s1, s0  }
0xcb: {  	s0 =	sadd.s32 $0x8F2B, s0  }
0xcc: {  	[sflag:s0] =	ssyncadd.remote.s32 $0x1  }
0xcd: {  	_ =	sfence.sel $0xFFFF  }
0xce: {  	[dreg:$0x0] =	wrdreg $0xFFFFFFFF;
	(pc) =	sbr.abs _section_cstart, $3  }
0xcf: {  	[dreg:$0x1] =	wrdreg $0xFFFFFFFF  }
0xd0: {  	_ =	task.clear_ibuf [dreg:s22], $0x2FFFF;
	_ =	strace $0x9FFFFFFF  }
0xd1: {  	(tm) =	ssettm $0x7FFFFFFF  }
tec
execute0_lowered:
.L_overlay_start_1:
0x0: {  	(tag) =	ssettag $0x1  }
0x1: {  	s2 =	rddreg [dreg:$0x0];
	s0 =	srdreg.scid  }
0x2: {  	s5 =	rddreg [dreg:$0x1];
	s1 =	stileid.u32;
	s6 =	simm.s32 $0x1  }
0x3: {  	s9 =	simm.s32 $0x1;
	s10 =	simm.s32 $0x3;
	s3 =	sshll.u32 s0, $0x6  }
0x4: {  	s13 =	simm.s32 $0x0;
	s4 =	sshll.u32 s1, $0x7;
	s3 =	sand.u32 $0x40, s3  }
0x5: {  	s0 =	rddreg [dreg:$0x2];
	_ =	strace $0x8000004D;
	s3 =	sor.u32 s4, s3  }
0x6: {  	s12 =	simm.s32 $0x0;
	[sflag:s6] =	ssyncpa.u1 $0x0;
	s8 =	ssub.s32 $0x1000, s3  }
.Ltmp0:
0x7: {  	s4 =	sadd.s32 $0x31D800, s5;
	s7 =	sand.u32 $0x7C0, s8;
	(pc) =	sbr.rel .LBB2_1-.Ltmp0, $4  }
0x8: {  	s5 =	sadd.s32 $0x31DA00, s5;
	s11 =	smov.u32 s3;
	p0 =	sne.s32 s7, $0x0  }
0x9: {  	s8 =	sshrl.u32 s8, $0xB;
	s7 =	simm.s32 $0x2;
	s9 =	simm.s32 @!p0 $0x0  }
0xa: {  	[sflag:s7] =	ssyncpa.u1 $0x0;
	p0 =	por $0x0, $0x0;
	s8 =	sadd.s32 s9, s8  }
0xb: {  	vm0 =	vmmov $0xffff;
	[sflag:s10] =	ssyncpa.u1 $0x0;
	s10 =	simm.s32 $0x0;
	s9 =	sadd.s32 $0x1, s8  }
.LBB2_4:
0xc: {  	vm1 =	veq.s32 v1, $0x80000000;
	v2 =	vand.u32 $0x7FF, v2  }
0xd: {  	v63 =	vand.u32 $0x1, v1;
	v2 =	vsel vm1, $0xFFFFFFFF, v2  }
0xe: {  	v1 =	vsel vm1, $0xFFFFFFFF, v63;
	v3 =	vshll.u32 v2, $0x1  }
0xf: {  	v4 =	vand.u32 $0xFFFFF000, v1;
	v1 =	vshll.u32 v1, $0x7;
	v3 =	vand.u32 $0xFFFFFF00, v3  }
0x10: {  	v1 =	vand.u32 $0x80, v1;
	v3 =	vadd.s32 v4, v3  }
0x11: {  	v2 =	vand.u32 $0x7F, v2;
	v1 =	vor.u32 v1, v3  }
0x12: {  	v1 =	vor.u32 v2, v1;
	_ =	sdelay $0x1  }
0x13: {  	(ifvalue) =	ssetifvalue $0x7FFFFFFF;
	s14 =	sadd.s32 $0x10, s14  }
0x14: {  	[tilespmem:s14], [sflag:$0x1] =	stream.indirect_vreg.gather [hbm4b:s2+s10], $0x1, v0, vm0, $0x4038;
	[tilespmem:$0x100] =	vst v63  }
0x15: {  	(ifvalue) =	ssetifvalue $0x7FFFFFFF;
	s14 =	sadd.s32 $0x10, s14  }
0x16: {  	[tilespmem:s14], [sflag:$0x1] =	stream.indirect_vreg.gather [hbm4b:s2+s10], $0x1, v1, vm0, $0x4038;
	[tilespmem:$0x100] =	vst v63  }
0x17: {  	_ =	swait.ge [sflag:s6], $0x40  }
0x18: {  	s30 =	sshrl.u32 s13, $0x3;
	[sflag:s6] =	ssyncset.done $0x0  }
0x19: {  	s31 =	sand.u32 $0x7, s13;
	s14 =	sadd.s32 s5, s30;
	[sflag:s6] =	ssyncadd.s32 $0xFFFFFFC0  }
0x1a: {  	[hbm4b:s14+s31] =	stream.linear.scatter [tilespmem:s15], [sflag:$0x3], $0x40, $0x38;
	[tilespmem:$0x100] =	vst v63  }
.LBB2_5:
0x1b: {  	s15 =	sadd.s32 $0x800, s11  }
0x1c: {  	p2 =	sgt.s32 s15, $0xFFF  }
0x1d: {  	s15 =	smov.u32 @p2 s3;
	p2 =	sne.s32 s12, s9  }
.Ltmp1:
0x1e: {  	p1 =	slt.u32 s12, $0x2;
	(pc) =	sbr.rel @!p2 .LBB2_6-.Ltmp1, $4  }
0x1f: {  	s14 =	simm.s32 @!p1 $0x3  }
0x20: {  	s16 =	sadd.s32 $0x1, s12;
	_ =	swait.ge @!p1 [sflag:s14], $0x40  }
0x21: {  	s13 =	smov.u32 s11;
	p0 =	por !p0, !p0;
	[sflag:s14] =	ssyncset.done @!p1 $0x0  }
0x22: {  	s12 =	smov.u32 s16;
	s11 =	smov.u32 s15;
	[sflag:s14] =	ssyncadd.s32 @!p1 $0xFFFFFFC0  }
.LBB2_1:
0x23: {  	p1 =	sge.u32 s12, s8  }
0x24: {  	s14 =	sxor.u32 @!p1 $0xFFFFFFFF, s12  }
0x25: {  	s31 =	sadd.s32 $0xFFFFFFFF, s12;
	s15 =	sshrl.u32 @!p1 s11, $0x3;
	s14 =	sshll.u32 @!p1 s14, $0x6  }
0x26: {  	s16 =	sand.u32 @!p1 $0x7, s11;
	s15 =	sadd.s32 @!p1 s4, s15;
	s14 =	sand.u32 @!p1 $0x40, s14  }
0x27: {  	[tilespmem:s14], [sflag:$0x2] =	stream.linear.gather @!p1 [hbm4b:s15+s16], $0x40, $0x38;
	[tilespmem:$0x100] =	vst v63  }
0x28: {  	p1 =	sge.u32 s31, s8  }
.Ltmp2:
0x29: {  	_ = 	snop;
	(pc) =	sbr.rel @p1 .LBB2_5-.Ltmp2, $1  }
0x2a: {  	_ =	sdelay $0x3  }
0x2b: {  	s14 =	simm.s32 $0x1  }
0x2c: {  	_ =	swait.ge [sflag:s7], $0x40;
	s14 =	simm.s32 @!p0 $0x0  }
0x2d: {  	[sflag:s7] =	ssyncset.done $0x0;
	s14 =	sshll.u32 s14, $0x6  }
0x2e: {  	[sflag:s7] =	ssyncadd.s32 $0xFFFFFFC0;
	(ifvalue) =	ssetifvalue $0x7FFFFFFF;
	v0 =	vld.msk [tilespmem:s14+$0x0 ss:$0x1], $0xffff;
	_ =	sdelay $0x4  }
0x2f: {  	s15 =	sadd.s32 $0x10, s14;
	v1 =	vshrl.u32 v0, $0x1  }
0x30: {  	v2 =	vld.msk [tilespmem:s15+$0x0 ss:$0x1], $0xffff;
	vm1 =	veq.s32 v0, $0x80000000;
	v1 =	vand.u32 $0x7FF, v1  }
0x31: {  	v0 =	vand.u32 $0x1, v0;
	v1 =	vsel vm1, $0xFFFFFFFF, v1  }
0x32: {  	v0 =	vsel vm1, $0xFFFFFFFF, v0;
	v3 =	vshll.u32 v1, $0x1  }
0x33: {  	v4 =	vand.u32 $0xFFFFF000, v0;
	v0 =	vshll.u32 v0, $0x7;
	v3 =	vand.u32 $0xFFFFFF00, v3  }
0x34: {  	v0 =	vand.u32 $0x80, v0;
	v3 =	vadd.s32 v4, v3  }
0x35: {  	v1 =	vand.u32 $0x7F, v1;
	v0 =	vor.u32 v0, v3;
	v3 =	vshrl.u32 v2, $0x1  }
0x36: {  	s17 =	sadd.s32 $0x10, s15;
	vm1 =	veq.s32 v2, $0x80000000;
	v0 =	vor.u32 v1, v0;
	v3 =	vand.u32 $0x7FF, v3  }
0x37: {  	v2 =	vand.u32 $0x1, v2;
	v1 =	vld.msk [tilespmem:s17+$0x0 ss:$0x1], $0xffff;
	v3 =	vsel vm1, $0xFFFFFFFF, v3  }
0x38: {  	v2 =	vsel vm1, $0xFFFFFFFF, v2;
	v63 =	vshll.u32 v3, $0x1  }
0x39: {  	s31 =	sshll.u32 s12, $0x6;
	v5 =	vand.u32 $0xFFFFF000, v2;
	v2 =	vshll.u32 v2, $0x7;
	v4 =	vand.u32 $0xFFFFFF00, v63  }
0x3a: {  	s14 =	sor.u32 $0x80, s14;
	s15 =	sand.u32 $0x40, s31;
	(ifvalue) =	ssetifvalue $0x7FFFFFFF;
	v2 =	vand.u32 $0x80, v2;
	v4 =	vadd.s32 v5, v4  }
0x3b: {  	[tilespmem:s14], [sflag:$0x1] =	stream.indirect_vreg.gather [hbm4b:s2+s10], $0x1, v0, vm0, $0x4038;
	v0 =	vand.u32 $0x7F, v3;
	v3 =	vor.u32 v2, v4;
	[tilespmem:$0x100] =	vst v63  }
0x3c: {  	s16 =	simm.s32 $0x20;
	s15 =	sor.u32 $0x80, s15;
	s17 =	sadd.s32 $0x10, s17;
	v2 =	vshrl.u32 v1, $0x1;
	v0 =	vor.u32 v0, v3  }
.LBB2_3:
0x3d: {  	v3 =	vld.msk [tilespmem:s17+$0x0 ss:$0x1], $0xffff;
	s16 =	sadd.s32 $0x10, s16;
	vm1 =	veq.s32 v1, $0x80000000;
	v2 =	vand.u32 $0x7FF, v2  }
0x3e: {  	v1 =	vand.u32 $0x1, v1;
	p1 =	slt.u32 s16, $0x30;
	v2 =	vsel vm1, $0xFFFFFFFF, v2  }
.Ltmp3:
0x3f: {  	v1 =	vsel vm1, $0xFFFFFFFF, v1;
	v4 =	vshll.u32 v2, $0x1;
	(pc) =	sbr.rel @p1 .LBB2_3-.Ltmp3, $4  }
0x40: {  	s14 =	sadd.s32 $0x10, s14;
	v5 =	vand.u32 $0xFFFFF000, v1;
	v1 =	vshll.u32 v1, $0x7;
	v4 =	vand.u32 $0xFFFFFF00, v4;
	(ifvalue) =	ssetifvalue $0x7FFFFFFF  }
0x41: {  	v4 =	vadd.s32 v5, v4;
	v5 =	vand.u32 $0x80, v1;
	[tilespmem:s14], [sflag:$0x1] =	stream.indirect_vreg.gather [hbm4b:s2+s10], $0x1, v0, vm0, $0x4038;
	[tilespmem:$0x100] =	vst v63  }
0x42: {  	v0 =	vand.u32 $0x7F, v2;
	v4 =	vor.u32 v5, v4  }
0x43: {  	s17 =	sadd.s32 $0x10, s17;
	v2 =	vshrl.u32 v3, $0x1;
	v1 =	vmov v3;
	v0 =	vor.u32 v0, v4  }
.Ltmp4:
0x44: {  	_ = 	snop;
	(pc) =	sbr.rel .LBB2_4-.Ltmp4, $1  }
0x45: {  	_ =	sdelay $0x3  }
.LBB2_6:
0x46: {  	_ =	sfence.sel $0x180000  }
0x47: {  	s2 =	simm.s32 $0x2;
	[bflag:$0x0] =	sbarrier.arrive $0xFFFF  }
0x48: {  	s30 =	simm.s32 $0x3;
	[sflag:s2] =	ssyncpa.u1 $0x1  }
0x49: {  	s31 =	simm.s32 $0x1;
	[sflag:s30] =	ssyncpa.u1 $0x1  }
0x4a: {  	[sflag:s31] =	ssyncpa.u1 $0x1  }
0x4b: {  	p0 =	sne.s32 s1, $0x0;
	_ =	strace $0x9000004D  }
0x4c: {  	s0 =	sadd.s32 @!p0 $0x100000, s0;
	[bflag:$0x2] =	sbarrier.arrive $0xFFFF  }
0x4d: {  	[sflag:s0] =	ssyncadd.tile.s32 @!p0 $0x1;
	_ =	shalt  }
.Lfunc_end2:
_tile_overlayer_lowered:
.L_overlay_start_2:
0x4e: {  	(tag) =	ssettag $0x2  }
0x4f: {  	s0 =	rddreg [dreg:$0x0];
	s2 =	stileid.u32  }
0x50: {  	s1 =	rddreg [dreg:$0x1];
	p0 =	sne.s32 s2, $0x0  }
0x51: {  	s3 =	rddreg [dreg:$0x2];
	[bflag:$0x3] =	sbarrier.arrive $0xFFFF;
	s2 =	simm.s32 @!p0 $0x1C01  }
0x52: {  	[timem:s3], [sflag:s2] =	dma.local @!p0 [hbm:s0], s1  }
0x53: {  	s0 =	simm.s32 @!p0 $0x1  }
0x54: {  	_ =	swait.ge @!p0 [sflag:s0], s1  }
0x55: {  	s1 =	ssub.s32 @!p0 $0x0, s1;
	[sflag:s0] =	ssyncset.done @!p0 $0x0  }
0x56: {  	[sflag:s0] =	ssyncadd.s32 @!p0 s1  }
0x57: {  	[bflag:$0x3] =	sbarrier.arrive $0xFFFF  }
0x58: {  	_ =	shalt  }

// kernel: gather_offload_async_start.5
scs
__scs_entry_jumppad:
0x0: {  	(pc) =	sbr.rel $0x88, $3  }
0x1: {  	(tag) =	ssettag $0x0;
	lr =	simm.s32 $0x1  }
0x2: {  	[smem:$0x3F9E] =	sst lr;
	_ =	strace $0xD0000000  }
0x3: {  	_ = 	snop  }
0x4: {  	_ = 	snop  }
0x5: {  	_ = 	snop  }
0x6: {  	_ = 	snop  }
0x7: {  	_ = 	snop  }
__scs_overlays_trampoline_lowered:
0x8: {  	[smem:$0x3FAD] =	sst s0  }
0x9: {  	[smem:$0x3FAE] =	sst s1  }
0xa: {  	[smem:$0x3FAF] =	sst s2  }
0xb: {  	[smem:$0x3FB0] =	sst s3  }
0xc: {  	[smem:$0x3FB1] =	sst s4  }
0xd: {  	[smem:$0x3FB2] =	sst s5  }
0xe: {  	[smem:$0x3FB3] =	sst s6  }
0xf: {  	[smem:$0x3FB4] =	sst s7  }
0x10: {  	[smem:$0x3FB5] =	sst s8  }
0x11: {  	[smem:$0x3FB6] =	sst s9;
	s0 =	simm.s32 @!p0 $0x0  }
0x12: {  	s1 =	sld [smem:$0x3F9C];
	s0 =	simm.s32 @p0 $0x1  }
0x13: {  	[smem:$0x3FB7] =	sst s0;
	s0 =	simm.s32 @!p1 $0x0  }
0x14: {  	s2 =	sld [smem:$0x3F9B];
	s0 =	simm.s32 @p1 $0x1  }
0x15: {  	[smem:$0x3FB8] =	sst s0;
	s0 =	simm.s32 @!p2 $0x0  }
0x16: {  	s3 =	sld [smem:$0x3FDB];
	s0 =	simm.s32 @p2 $0x1  }
0x17: {  	s4 =	simm.s32 $0x1BF5;
	[smem:$0x3FBA] =	sst s0  }
0x18: {  	s0 =	sld [smem:$0x3F9D];
	_ =	swait.ge [sflag:s4], $0x0  }
0x19: {  	s7 =	sld [smem:$0x3F9E]  }
0x1a: {  	s8 =	sadd.s32 $0xFFFFE003, lr  }
0x1b: {  	s9 =	sadd.s32 $0xFFFFFEF7, lr;
	s5 =	simm.s32 $0xFFFFFFFF;
	p2 =	slt.u32 s8, $0xFFFFF086  }
0x1c: {  	p1 =	slt.u32 s9, $0xF7A;
	s5 =	simm.s32 @!p2 $0x0  }
0x1d: {  	s5 =	simm.s32 @p1 $0x1;
	p0 =	seq.s32 s7, s2  }
0x1e: {  	s7 =	smul.u32 @!p0 $0xF7A, s2;
	p2 =	seq.s32 @!p0 s5, $0x0  }
0x1f: {  	s9 =	smul.u32 $0xF7A, s1;
	s8 =	simm.s32 @!p0 $0x1BF5;
	p2 =	por !p2, p0  }
0x20: {  	[sflag:s8] =	ssyncset.s32 @!p0 $0xFFFFF086;
	s6 =	sadd.s32 @!p0 s3, s7;
	s7 =	simm.s32 @!p0 $0x108  }
0x21: {  	s3 =	sadd.s32 s3, s9;
	s6 =	sadd.s32 @!p0 $0x88, s6;
	s7 =	simm.s32 @p2 $0x1082  }
0x22: {  	[simem:s7], [sflag:s8] =	dma.local @!p0 [hbm:s6], $0xF7A  }
0x23: {  	s9 =	sor.u32 $0xD0000000, s2;
	s6 =	simm.s32 $0x108;
	_ =	swait.ge @!p0 [sflag:s8], $0x0  }
0x24: {  	s3 =	sadd.s32 $0x88, s3;
	s6 =	simm.s32 @!p1 $0x1082;
	[sflag:s4] =	ssyncset.s32 $0xFFFFF086  }
0x25: {  	[simem:s6], [sflag:s4] =	dma.local [hbm:s3], $0xF7A  }
0x26: {  	[smem:$0x3F9E] =	sst s1;
	(tag) =	ssettag s2;
	_ =	strace s9  }
0x27: {  	s1 =	sld [smem:$0x3FAE]  }
0x28: {  	s2 =	sld [smem:$0x3FAF]  }
0x29: {  	s4 =	sld [smem:$0x3FB1]  }
0x2a: {  	p0 =	seq.s32 s5, $0x0;
	s5 =	sld [smem:$0x3FB2]  }
0x2b: {  	s6 =	sld [smem:$0x3FB3]  }
0x2c: {  	s7 =	sld [smem:$0x3FB4]  }
0x2d: {  	s3 =	simm.s32 $0x108;
	s8 =	sld [smem:$0x3FB5]  }
0x2e: {  	s3 =	simm.s32 @!p0 $0x1082;
	s9 =	sld [smem:$0x3FB6]  }
0x2f: {  	lr =	sadd.s32 s0, s3;
	s0 =	sld [smem:$0x3FAD]  }
0x30: {  	s3 =	sld [smem:$0x3FB0]  }
0x31: {  	[smem:$0x3FB9] =	sst s10  }
0x32: {  	s10 =	sld [smem:$0x3FB7];
	_ =	sdelay $0x3  }
0x33: {  	p0 =	seq.s32 s10, $0x1;
	s10 =	sld [smem:$0x3FB9];
	_ =	sdelay $0x3  }
0x34: {  	[smem:$0x3FB9] =	sst s10  }
0x35: {  	s10 =	sld [smem:$0x3FB8];
	_ =	sdelay $0x3  }
0x36: {  	p1 =	seq.s32 s10, $0x1;
	s10 =	sld [smem:$0x3FB9];
	_ =	sdelay $0x3  }
0x37: {  	[smem:$0x3FB9] =	sst s10  }
0x38: {  	s10 =	sld [smem:$0x3FBA]  }
0x39: {  	_ = 	snop;
	(pc) =	sbr.ind lr, $3  }
0x3a: {  	_ = 	snop  }
0x3b: {  	_ = 	snop  }
0x3c: {  	p2 =	seq.s32 s10, $0x1;
	s10 =	sld [smem:$0x3FB9]  }
0x3d: {  	_ =	shalt  }
0x3e: {  	_ =	shalt  }
0x3f: {  	_ =	shalt  }
0x40: {  	_ =	shalt  }
0x41: {  	_ =	shalt  }
0x42: {  	_ =	shalt  }
0x43: {  	_ =	shalt  }
0x44: {  	_ =	shalt  }
0x45: {  	_ =	shalt  }
0x46: {  	_ =	shalt  }
0x47: {  	_ =	shalt  }
0x48: {  	_ =	shalt  }
0x49: {  	_ =	shalt  }
0x4a: {  	_ =	shalt  }
0x4b: {  	_ =	shalt  }
0x4c: {  	_ =	shalt  }
0x4d: {  	_ =	shalt  }
0x4e: {  	_ =	shalt  }
0x4f: {  	_ =	shalt  }
0x50: {  	_ =	shalt  }
0x51: {  	_ =	shalt  }
0x52: {  	_ =	shalt  }
0x53: {  	_ =	shalt  }
0x54: {  	_ =	shalt  }
0x55: {  	_ =	shalt  }
0x56: {  	_ =	shalt  }
0x57: {  	_ =	shalt  }
0x58: {  	_ =	shalt  }
0x59: {  	_ =	shalt  }
0x5a: {  	_ =	shalt  }
0x5b: {  	_ =	shalt  }
0x5c: {  	_ =	shalt  }
0x5d: {  	_ =	shalt  }
0x5e: {  	_ =	shalt  }
0x5f: {  	_ =	shalt  }
0x60: {  	_ =	shalt  }
0x61: {  	_ =	shalt  }
0x62: {  	_ =	shalt  }
0x63: {  	_ =	shalt  }
0x64: {  	_ =	shalt  }
0x65: {  	_ =	shalt  }
0x66: {  	_ =	shalt  }
0x67: {  	_ =	shalt  }
0x68: {  	_ =	shalt  }
0x69: {  	_ =	shalt  }
0x6a: {  	_ =	shalt  }
0x6b: {  	_ =	shalt  }
0x6c: {  	_ =	shalt  }
0x6d: {  	_ =	shalt  }
0x6e: {  	_ =	shalt  }
0x6f: {  	_ =	shalt  }
0x70: {  	_ =	shalt  }
0x71: {  	_ =	shalt  }
0x72: {  	_ =	shalt  }
0x73: {  	_ =	shalt  }
0x74: {  	_ =	shalt  }
0x75: {  	_ =	shalt  }
0x76: {  	_ =	shalt  }
0x77: {  	_ =	shalt  }
0x78: {  	_ =	shalt  }
0x79: {  	_ =	shalt  }
0x7a: {  	_ =	shalt  }
0x7b: {  	_ =	shalt  }
0x7c: {  	_ =	shalt  }
0x7d: {  	_ =	shalt  }
0x7e: {  	_ =	shalt  }
0x7f: {  	_ =	shalt  }
0x80: {  	_ =	shalt  }
0x81: {  	_ =	shalt  }
0x82: {  	_ =	shalt  }
0x83: {  	_ =	shalt  }
0x84: {  	_ =	shalt  }
0x85: {  	_ =	shalt  }
0x86: {  	_ =	shalt  }
0x87: {  	_ =	shalt  }
.Lfunc_end0:
.L_simem_size_0:
called_computation.5_lowered:
.L_overlay_start_0:
0x88: {  	s2 =	sld [smem:$0x3FD9]  }
0x89: {  	s3 =	sld [smem:$0x3FFE];
	_ =	sdelay $0x1  }
0x8a: {  	s1 =	srdreg.scid  }
0x8b: {  	s0 =	sand.u32 $0x1, s1  }
0x8c: {  	s17 =	sshll.u32 s0, $0xA;
	s2 =	sadd.s32 s3, s2  }
0x8d: {  	s2 =	sadd.s32 s2, s17  }
0x8e: {  	[smem:$0x3FC5] =	sst s2  }
0x8f: {  	_ = 	snop  }
0x90: {  	(tm) =	ssettm $0x1  }
0x91: {  	s18 =	sld [smem:$0x3FFB];
	_ =	sdelay $0x3  }
0x92: {  	_ =	strace s18  }
0x93: {  	s2 =	sld [smem:$0x3FFC];
	_ =	sdelay $0x3  }
0x94: {  	_ =	strace s2  }
0x95: {  	s2 =	sld [smem:$0x3FFD];
	_ =	sdelay $0x3  }
0x96: {  	_ =	strace s2  }
0x97: {  	_ =	strace $0x8FFFFFFF  }
0x98: {  	s19 =	sld [smem:$0x3FDB];
	_ =	sdelay $0x1  }
0x99: {  	s20 =	simm.s32 $_scs_section_size  }
0x9a: {  	s4 =	simm.s32 $_size__tile_overlayer_lowered;
	s5 =	simm.s32 $_tile_overlayer_lowered  }
0x9b: {  	s6 =	simm.s32 $0x1BFF;
	s21 =	sshll.u32 s5, $0x1;
	s3 =	sadd.s32 s20, s19  }
0x9c: {  	s22 =	simm.s32 $0x0;
	s4 =	sshll.u32 s4, $0x1;
	s5 =	sadd.s32 s21, s3  }
0x9d: {  	[timem:s22], [sflag:s6] =	dma.local [hbm:s5], s4  }
0x9e: {  	_ =	swait.ge [sflag:s6], s4  }
0x9f: {  	s4 =	ssub.s32 $0x0, s4;
	[sflag:s6] =	ssyncset.done $0x0  }
0xa0: {  	[sflag:s6] =	ssyncadd.s32 s4;
	_ =	sdelay $0x1  }
0xa1: {  	s23 =	simm.s32 $0x1B8B  }
0xa2: {  	_ =	swait.ge [sflag:s23], $0x1  }
0xa3: {  	[sflag:s23] =	ssyncset.done $0x0  }
0xa4: {  	[sflag:s23] =	ssyncadd.s32 $0xFFFFFFFF  }
0xa5: {  	s4 =	sld [smem:$0x0]  }
0xa6: {  	s5 =	sand.u32 $0xFFFFFFFE, s1  }
0xa7: {  	p0 =	sne.s32 s1, s5  }
0xa8: {  	s5 =	sshll.u32 @p0 s5, $0xE  }
0xa9: {  	s5 =	sadd.s32 @p0 $0x11B8D, s5;
	s6 =	sshll.u32 @p0 s4, $0x11  }
0xaa: {  	s5 =	sor.u32 @p0 s6, s5  }
0xab: {  	[sflag:s5] =	ssyncadd.remote.s32 @p0 $0x1;
	_ =	sdelay $0x1  }
0xac: {  	s5 =	simm.s32 @p0 $0x1B8D  }
0xad: {  	_ =	swait.eq @p0 [sflag:s5], $0x1  }
0xae: {  	[sflag:s5] =	ssyncadd.s32 @p0 $0xFFFFFFFF  }
0xaf: {  	s6 =	sshll.u32 @!p0 s1, $0xE  }
0xb0: {  	s6 =	sor.u32 @!p0 $0x4000, s6;
	s5 =	simm.s32 @!p0 $0x1B8D  }
0xb1: {  	s4 =	sshll.u32 @!p0 s4, $0x11;
	s6 =	sadd.s32 @!p0 $0x11B8D, s6;
	_ =	swait.eq @!p0 [sflag:s5], $0x1  }
0xb2: {  	s4 =	sor.u32 @!p0 s4, s6;
	[sflag:s5] =	ssyncadd.s32 @!p0 $0xFFFFFFFF  }
0xb3: {  	s25 =	simm.s32 $0x1B8E;
	s24 =	sld [smem:$0x3FFE];
	[sflag:s4] =	ssyncadd.remote.s32 @!p0 $0x1  }
0xb4: {  	s26 =	simm.s32 $execute0_lowered;
	[smem:$0x3FD2] =	sst s25  }
0xb5: {  	s5 =	sshll.u32 s26, $0x1;
	_ =	strace $0x80000058;
	[dreg:$0x1] =	wrdreg $0xFFFFFFFF  }
0xb6: {  	s28 =	simm.s32 $_size_execute0_lowered;
	s3 =	sadd.s32 s3, s5;
	[dreg:$0x0] =	wrdreg $0x0  }
0xb7: {  	s5 =	sshll.u32 s28, $0x1;
	[dreg:$0x2] =	wrdreg s3  }
0xb8: {  	[dreg:$0x3] =	wrdreg s5  }
0xb9: {  	[dreg:$0x4] =	wrdreg $0xC0  }
0xba: {  	_ =	task [dreg:s22], $0x5FFFF  }
0xbb: {  	[dreg:$0x1] =	wrdreg $0xFFFFFFFF  }
0xbc: {  	[dreg:$0x0] =	wrdreg $0x60  }
0xbd: {  	[dreg:$0x2] =	wrdreg s24  }
0xbe: {  	[dreg:$0x3] =	wrdreg $0x9  }
0xbf: {  	_ =	task.clear_ibuf [dreg:s22], $0x4FFFF;
	_ =	strace $0x90000058  }
0xc0: {  	s29 =	simm.s32 $0x9;
	_ =	strace $0x8000005A  }
0xc1: {  	_ =	swait.ge [sflag:s29], $0x1  }
0xc2: {  	[sflag:s29] =	ssyncadd.s32 $0xFFFFFFFF  }
0xc3: {  	_ =	strace $0x9000005A  }
0xc4: {  	_ =	sfence  }
0xc5: {  	s30 =	sld [smem:$0x0];
	_ =	sdelay $0x2  }
0xc6: {  	s31 =	sshll.u32 s1, $0xD;
	s1 =	sshrl.u32 s1, $0x2  }
0xc7: {  	s4 =	sand.u32 $0x4000, s31;
	s1 =	sadd.s32 s1, s30  }
0xc8: {  	s0 =	sor.u32 s4, s0;
	s1 =	sshll.u32 s1, $0x11  }
0xc9: {  	s0 =	sor.u32 s1, s0  }
0xca: {  	s0 =	sadd.s32 $0x8F2B, s0  }
0xcb: {  	[sflag:s0] =	ssyncadd.remote.s32 $0x1  }
0xcc: {  	_ =	sfence.sel $0xFFFF  }
0xcd: {  	[dreg:$0x0] =	wrdreg $0xFFFFFFFF;
	(pc) =	sbr.abs _section_cstart, $3  }
0xce: {  	[dreg:$0x1] =	wrdreg $0xFFFFFFFF  }
0xcf: {  	_ =	task.clear_ibuf [dreg:s22], $0x2FFFF;
	_ =	strace $0x9FFFFFFF  }
0xd0: {  	(tm) =	ssettm $0x7FFFFFFF  }
0xd1: {  	_ =	shalt  }
tec
execute0_lowered:
.L_overlay_start_1:
0x0: {  	(tag) =	ssettag $0x1  }
0x1: {  	s7 =	rddreg [dreg:$0x0]  }
0x2: {  	s0 =	rddreg [dreg:$0x1];
	_ =	strace $0x80000059  }
0x3: {  	s1 =	srdreg.scid;
	s4 =	simm.s32 $0x1;
	s9 =	simm.s32 $0x3  }
0x4: {  	s12 =	simm.s32 $0x0;
	s10 =	simm.s32 $0x0;
	s5 =	sshll.u32 s1, $0x4  }
.Ltmp0:
0x5: {  	s1 =	stileid.u32;
	s5 =	sand.u32 $0x10, s5;
	(pc) =	sbr.rel .LBB2_1-.Ltmp0, $4  }
0x6: {  	s2 =	sadd.s32 $0x20200, s7;
	s3 =	sadd.s32 $0x31D600, s7;
	s6 =	sor.u32 s1, s5  }
0x7: {  	[sflag:s4] =	ssyncpa.u1 $0x0;
	s5 =	simm.s32 $0x2;
	s6 =	sshll.u32 s6, $0x7  }
0x8: {  	s7 =	sadd.s32 $0x30200, s7;
	[sflag:s5] =	ssyncpa.u1 $0x0;
	s8 =	sadd.s32 $0x80, s6  }
0x9: {  	vm0 =	vmmov $0xff;
	vm1 =	vcmask $0x3F20;
	[sflag:s9] =	ssyncpa.u1 $0x0;
	s9 =	simm.s32 $0x80;
	s11 =	smov.u32 s6  }
.LBB2_9:
0xa: {  	p0 =	seq.s32 s10, $0x2  }
.Ltmp1:
0xb: {  	_ = 	snop;
	(pc) =	sbr.rel @p0 .LBB2_11-.Ltmp1, $1  }
0xc: {  	_ =	sdelay $0x3  }
.LBB2_10:
0xd: {  	s12 =	sadd.s32 $0x80, s11  }
0xe: {  	s13 =	smov.u32 s6;
	p0 =	slt.s32 s12, s8  }
0xf: {  	s13 =	smov.u32 @p0 s12  }
0x10: {  	s10 =	sadd.s32 $0x1, s10;
	s12 =	smov.u32 s11;
	s11 =	smov.u32 s13  }
.LBB2_1:
0x11: {  	p0 =	sne.s32 s10, $0x0  }
.Ltmp2:
0x12: {  	_ = 	snop;
	(pc) =	sbr.rel @!p0 .LBB2_2-.Ltmp2, $1  }
0x13: {  	_ =	sdelay $0x3  }
0x14: {  	s13 =	sand.u32 $0x1, s10  }
0x15: {  	p0 =	seq.s32 s13, $0x0  }
.Ltmp3:
0x16: {  	_ = 	snop;
	(pc) =	sbr.rel @p0 .LBB2_9-.Ltmp3, $1  }
0x17: {  	_ =	sdelay $0x3  }
0x18: {  	_ =	swait.ge [sflag:s5], $0x80  }
0x19: {  	[sflag:s5] =	ssyncset.done $0x0  }
0x1a: {  	s13 =	simm.s32 $0x0;
	[sflag:s5] =	ssyncadd.s32 $0xFFFFFF80  }
0x1b: {  	v0 =	vld.msk [tilespmem:s13+$0x80 ss:$0x1], $0xffff;
	_ =	sdelay $0x4  }
0x1c: {  	v1 =	vshll.u32 v0, $0x6  }
0x1d: {  	vm2 =	veq.s32 v0, $0x80000000;
	v0 =	vshll.u32 v0, $0x12;
	v1 =	vand.u32 $0x3FF80, v1  }
0x1e: {  	v0 =	vand.u32 $0x40000, v0;
	v1 =	vsel vm2, $0xFFFFFF80, v1  }
0x1f: {  	v0 =	vsel vm2, $0xFFFC0000, v0;
	v2 =	vand.u32 $0xFFFFFC00, v1  }
0x20: {  	v1 =	vand.u32 $0x380, v1;
	v0 =	vadd.s32 v0, v2  }
0x21: {  	v0 =	vor.u32 v1, v0  }
0x22: {  	v0 =	vshrl.u32 v0, $0x3;
	_ =	sdelay $0x3  }
0x23: {  	s13 =	simm.s32 $0x4100  }
0x24: {  	[tilespmem:s13], [sflag:$0x1] =	stream.indirect_vreg.gather [hbm:s2], $0x80, v0, vm0, $0x38;
	[tilespmem:$0x8100] =	vst v63  }
0x25: {  	s14 =	simm.s32 $0x4500;
	s31 =	simm.s32 $0x10  }
0x26: {  	[tilespmem:s14], [sflag:$0x1] =	stream.indirect_vreg.gather [hbm:s2], $0x80, v0, vm1, $0x38;
	[tilespmem:$0x8100] =	vst v63  }
0x27: {  	s14 =	simm.s32 $0x80;
	v0 =	vld.msk [tilespmem:s31+$0x80 ss:$0x1], $0xffff  }
.LBB2_5:
0x28: {  	p0 =	sne.s32 s14, $0x1C0;
	_ =	sdelay $0x4  }
0x29: {  	v1 =	vshll.u32 v0, $0x6  }
0x2a: {  	vm2 =	veq.s32 v0, $0x80000000;
	v0 =	vshll.u32 v0, $0x12;
	v1 =	vand.u32 $0x3FF80, v1  }
0x2b: {  	v0 =	vand.u32 $0x40000, v0;
	v1 =	vsel vm2, $0xFFFFFF80, v1  }
0x2c: {  	v0 =	vsel vm2, $0xFFFC0000, v0;
	v2 =	vand.u32 $0xFFFFFC00, v1  }
0x2d: {  	v1 =	vand.u32 $0x380, v1;
	v0 =	vadd.s32 v0, v2  }
0x2e: {  	v0 =	vor.u32 v1, v0  }
0x2f: {  	v0 =	vshrl.u32 v0, $0x3;
	_ =	sdelay $0x3  }
.Ltmp4:
0x30: {  	s13 =	sadd.s32 $0x800, s13;
	(pc) =	sbr.rel @p0 .LBB2_5-.Ltmp4, $4  }
0x31: {  	[tilespmem:s13], [sflag:$0x1] =	stream.indirect_vreg.gather [hbm:s2], $0x80, v0, vm0, $0x38;
	[tilespmem:$0x8100] =	vst v63  }
0x32: {  	s15 =	sshra.s32 s14, $0x2;
	s16 =	sadd.s32 $0x400, s13  }
0x33: {  	[tilespmem:s16], [sflag:$0x1] =	stream.indirect_vreg.gather [hbm:s2], $0x80, v0, vm1, $0x38;
	[tilespmem:$0x8100] =	vst v63  }
0x34: {  	s14 =	sadd.s32 $0x40, s14;
	v0 =	vld.msk [tilespmem:s15+$0x80 ss:$0x1], $0xffff  }
0x35: {  	_ =	sdelay $0x3  }
0x36: {  	v1 =	vshll.u32 v0, $0x6  }
0x37: {  	vm2 =	veq.s32 v0, $0x80000000;
	v63 =	vshll.u32 v0, $0x12;
	v1 =	vand.u32 $0x3FF80, v1  }
0x38: {  	v0 =	vand.u32 $0x40000, v63;
	v1 =	vsel vm2, $0xFFFFFF80, v1  }
0x39: {  	v0 =	vsel vm2, $0xFFFC0000, v0;
	v2 =	vand.u32 $0xFFFFFC00, v1  }
0x3a: {  	v1 =	vand.u32 $0x380, v1;
	v0 =	vadd.s32 v0, v2  }
0x3b: {  	v0 =	vor.u32 v1, v0  }
0x3c: {  	v0 =	vshrl.u32 v0, $0x3;
	_ =	sdelay $0x3  }
0x3d: {  	s13 =	sadd.s32 $0x800, s13  }
0x3e: {  	[tilespmem:s13], [sflag:$0x1] =	stream.indirect_vreg.gather [hbm:s2], $0x80, v0, vm0, $0x38;
	[tilespmem:$0x8100] =	vst v63  }
0x3f: {  	s13 =	sadd.s32 $0x400, s13  }
0x40: {  	[tilespmem:s13], [sflag:$0x1] =	stream.indirect_vreg.gather [hbm:s2], $0x80, v0, vm1, $0x38;
	[tilespmem:$0x8100] =	vst v63  }
0x41: {  	s12 =	sshll.u32 s12, $0x4;
	s14 =	simm.s32 $0x80;
	_ =	swait.ge [sflag:s4], $0x4000  }
0x42: {  	s15 =	simm.s32 $0x4500;
	s12 =	sadd.s32 s12, s7;
	[sflag:s4] =	ssyncset.done $0x0  }
0x43: {  	s16 =	sadd.s32 $0x0, s12;
	s13 =	simm.s32 $0x4100;
	[sflag:s4] =	ssyncadd.s32 $0xFFFFC000  }
.LBB2_7:
0x44: {  	[hbm:s16] =	stream.linear.scatter [tilespmem:s13], [sflag:$0x3], $0x400, $0x38;
	[tilespmem:$0x8100] =	vst v63  }
0x45: {  	s16 =	smov.u32 s14;
	s13 =	smov.u32 s15;
	p0 =	sne.s32 s14, $0x780  }
.Ltmp5:
0x46: {  	s14 =	sadd.s32 $0x80, s14;
	(pc) =	sbr.rel @p0 .LBB2_7-.Ltmp5, $2  }
0x47: {  	_ =	sdelay $0x2  }
0x48: {  	s15 =	sadd.s32 $0x400, s15;
	s16 =	sadd.s32 s16, s12  }
.Ltmp6:
0x49: {  	(pc) =	sbr.rel .LBB2_9-.Ltmp6, $2  }
0x4a: {  	_ =	sdelay $0x2  }
0x4b: {  	[hbm:s16] =	stream.linear.scatter [tilespmem:s13], [sflag:$0x3], $0x400, $0x38;
	[tilespmem:$0x8100] =	vst v63  }
.LBB2_2:
.Ltmp7:
0x4c: {  	(pc) =	sbr.rel .LBB2_10-.Ltmp7, $4  }
0x4d: {  	_ = 	snop  }
0x4e: {  	s12 =	sshrl.u32 s11, $0x3  }
0x4f: {  	s13 =	sand.u32 $0x7, s11;
	s12 =	sadd.s32 s3, s12  }
0x50: {  	[tilespmem:s9], [sflag:$0x2] =	stream.linear.gather [hbm4b:s12+s13], $0x80, $0x38;
	[tilespmem:$0x8100] =	vst v63  }
.LBB2_11:
0x51: {  	s2 =	simm.s32 $0x3  }
0x52: {  	_ =	swait.ge [sflag:s2], $0x4000  }
0x53: {  	[sflag:s2] =	ssyncset.done $0x0  }
0x54: {  	[sflag:s2] =	ssyncadd.s32 $0xFFFFC000  }
0x55: {  	_ =	sfence.sel $0x180000  }
0x56: {  	s3 =	simm.s32 $0x2;
	[bflag:$0x0] =	sbarrier.arrive $0xFFFF  }
0x57: {  	[sflag:s3] =	ssyncpa.u1 $0x1  }
0x58: {  	s31 =	simm.s32 $0x1;
	[sflag:s2] =	ssyncpa.u1 $0x1  }
0x59: {  	[sflag:s31] =	ssyncpa.u1 $0x1  }
0x5a: {  	p0 =	sne.s32 s1, $0x0;
	_ =	strace $0x90000059  }
0x5b: {  	s0 =	sadd.s32 @!p0 $0x100000, s0;
	[bflag:$0x2] =	sbarrier.arrive $0xFFFF  }
0x5c: {  	[sflag:s0] =	ssyncadd.tile.s32 @!p0 $0x1;
	_ =	shalt  }
.Lfunc_end2:
_tile_overlayer_lowered:
.L_overlay_start_2:
0x5d: {  	(tag) =	ssettag $0x2  }
0x5e: {  	s0 =	rddreg [dreg:$0x0];
	s2 =	stileid.u32  }
0x5f: {  	s1 =	rddreg [dreg:$0x1];
	p0 =	sne.s32 s2, $0x0  }
0x60: {  	s3 =	rddreg [dreg:$0x2];
	[bflag:$0x3] =	sbarrier.arrive $0xFFFF;
	s2 =	simm.s32 @!p0 $0x1C01  }
0x61: {  	[timem:s3], [sflag:s2] =	dma.local @!p0 [hbm:s0], s1  }
0x62: {  	s0 =	simm.s32 @!p0 $0x1  }
0x63: {  	_ =	swait.ge @!p0 [sflag:s0], s1  }
0x64: {  	s1 =	ssub.s32 @!p0 $0x0, s1;
	[sflag:s0] =	ssyncset.done @!p0 $0x0  }
0x65: {  	[sflag:s0] =	ssyncadd.s32 @!p0 s1  }
0x66: {  	[bflag:$0x3] =	sbarrier.arrive $0xFFFF  }
0x67: {  	_ =	shalt  }

// kernel: gather_offload_async_start.6
scs
__scs_entry_jumppad:
0x0: {  	(pc) =	sbr.rel $0x88, $3  }
0x1: {  	(tag) =	ssettag $0x0;
	lr =	simm.s32 $0x1  }
0x2: {  	[smem:$0x3F9E] =	sst lr;
	_ =	strace $0xD0000000  }
0x3: {  	_ = 	snop  }
0x4: {  	_ = 	snop  }
0x5: {  	_ = 	snop  }
0x6: {  	_ = 	snop  }
0x7: {  	_ = 	snop  }
__scs_overlays_trampoline_lowered:
0x8: {  	[smem:$0x3FAD] =	sst s0  }
0x9: {  	[smem:$0x3FAE] =	sst s1  }
0xa: {  	[smem:$0x3FAF] =	sst s2  }
0xb: {  	[smem:$0x3FB0] =	sst s3  }
0xc: {  	[smem:$0x3FB1] =	sst s4  }
0xd: {  	[smem:$0x3FB2] =	sst s5  }
0xe: {  	[smem:$0x3FB3] =	sst s6  }
0xf: {  	[smem:$0x3FB4] =	sst s7  }
0x10: {  	[smem:$0x3FB5] =	sst s8  }
0x11: {  	[smem:$0x3FB6] =	sst s9;
	s0 =	simm.s32 @!p0 $0x0  }
0x12: {  	s1 =	sld [smem:$0x3F9C];
	s0 =	simm.s32 @p0 $0x1  }
0x13: {  	[smem:$0x3FB7] =	sst s0;
	s0 =	simm.s32 @!p1 $0x0  }
0x14: {  	s2 =	sld [smem:$0x3F9B];
	s0 =	simm.s32 @p1 $0x1  }
0x15: {  	[smem:$0x3FB8] =	sst s0;
	s0 =	simm.s32 @!p2 $0x0  }
0x16: {  	s3 =	sld [smem:$0x3FDB];
	s0 =	simm.s32 @p2 $0x1  }
0x17: {  	s4 =	simm.s32 $0x1BF5;
	[smem:$0x3FBA] =	sst s0  }
0x18: {  	s0 =	sld [smem:$0x3F9D];
	_ =	swait.ge [sflag:s4], $0x0  }
0x19: {  	s7 =	sld [smem:$0x3F9E]  }
0x1a: {  	s8 =	sadd.s32 $0xFFFFE003, lr  }
0x1b: {  	s9 =	sadd.s32 $0xFFFFFEF7, lr;
	s5 =	simm.s32 $0xFFFFFFFF;
	p2 =	slt.u32 s8, $0xFFFFF086  }
0x1c: {  	p1 =	slt.u32 s9, $0xF7A;
	s5 =	simm.s32 @!p2 $0x0  }
0x1d: {  	s5 =	simm.s32 @p1 $0x1;
	p0 =	seq.s32 s7, s2  }
0x1e: {  	s7 =	smul.u32 @!p0 $0xF7A, s2;
	p2 =	seq.s32 @!p0 s5, $0x0  }
0x1f: {  	s9 =	smul.u32 $0xF7A, s1;
	s8 =	simm.s32 @!p0 $0x1BF5;
	p2 =	por !p2, p0  }
0x20: {  	[sflag:s8] =	ssyncset.s32 @!p0 $0xFFFFF086;
	s6 =	sadd.s32 @!p0 s3, s7;
	s7 =	simm.s32 @!p0 $0x108  }
0x21: {  	s3 =	sadd.s32 s3, s9;
	s6 =	sadd.s32 @!p0 $0x88, s6;
	s7 =	simm.s32 @p2 $0x1082  }
0x22: {  	[simem:s7], [sflag:s8] =	dma.local @!p0 [hbm:s6], $0xF7A  }
0x23: {  	s9 =	sor.u32 $0xD0000000, s2;
	s6 =	simm.s32 $0x108;
	_ =	swait.ge @!p0 [sflag:s8], $0x0  }
0x24: {  	s3 =	sadd.s32 $0x88, s3;
	s6 =	simm.s32 @!p1 $0x1082;
	[sflag:s4] =	ssyncset.s32 $0xFFFFF086  }
0x25: {  	[simem:s6], [sflag:s4] =	dma.local [hbm:s3], $0xF7A  }
0x26: {  	[smem:$0x3F9E] =	sst s1;
	(tag) =	ssettag s2;
	_ =	strace s9  }
0x27: {  	s1 =	sld [smem:$0x3FAE]  }
0x28: {  	s2 =	sld [smem:$0x3FAF]  }
0x29: {  	s4 =	sld [smem:$0x3FB1]  }
0x2a: {  	p0 =	seq.s32 s5, $0x0;
	s5 =	sld [smem:$0x3FB2]  }
0x2b: {  	s6 =	sld [smem:$0x3FB3]  }
0x2c: {  	s7 =	sld [smem:$0x3FB4]  }
0x2d: {  	s3 =	simm.s32 $0x108;
	s8 =	sld [smem:$0x3FB5]  }
0x2e: {  	s3 =	simm.s32 @!p0 $0x1082;
	s9 =	sld [smem:$0x3FB6]  }
0x2f: {  	lr =	sadd.s32 s0, s3;
	s0 =	sld [smem:$0x3FAD]  }
0x30: {  	s3 =	sld [smem:$0x3FB0]  }
0x31: {  	[smem:$0x3FB9] =	sst s10  }
0x32: {  	s10 =	sld [smem:$0x3FB7];
	_ =	sdelay $0x3  }
0x33: {  	p0 =	seq.s32 s10, $0x1;
	s10 =	sld [smem:$0x3FB9];
	_ =	sdelay $0x3  }
0x34: {  	[smem:$0x3FB9] =	sst s10  }
0x35: {  	s10 =	sld [smem:$0x3FB8];
	_ =	sdelay $0x3  }
0x36: {  	p1 =	seq.s32 s10, $0x1;
	s10 =	sld [smem:$0x3FB9];
	_ =	sdelay $0x3  }
0x37: {  	[smem:$0x3FB9] =	sst s10  }
0x38: {  	s10 =	sld [smem:$0x3FBA]  }
0x39: {  	_ = 	snop;
	(pc) =	sbr.ind lr, $3  }
0x3a: {  	_ = 	snop  }
0x3b: {  	_ = 	snop  }
0x3c: {  	p2 =	seq.s32 s10, $0x1;
	s10 =	sld [smem:$0x3FB9]  }
0x3d: {  	_ =	shalt  }
0x3e: {  	_ =	shalt  }
0x3f: {  	_ =	shalt  }
0x40: {  	_ =	shalt  }
0x41: {  	_ =	shalt  }
0x42: {  	_ =	shalt  }
0x43: {  	_ =	shalt  }
0x44: {  	_ =	shalt  }
0x45: {  	_ =	shalt  }
0x46: {  	_ =	shalt  }
0x47: {  	_ =	shalt  }
0x48: {  	_ =	shalt  }
0x49: {  	_ =	shalt  }
0x4a: {  	_ =	shalt  }
0x4b: {  	_ =	shalt  }
0x4c: {  	_ =	shalt  }
0x4d: {  	_ =	shalt  }
0x4e: {  	_ =	shalt  }
0x4f: {  	_ =	shalt  }
0x50: {  	_ =	shalt  }
0x51: {  	_ =	shalt  }
0x52: {  	_ =	shalt  }
0x53: {  	_ =	shalt  }
0x54: {  	_ =	shalt  }
0x55: {  	_ =	shalt  }
0x56: {  	_ =	shalt  }
0x57: {  	_ =	shalt  }
0x58: {  	_ =	shalt  }
0x59: {  	_ =	shalt  }
0x5a: {  	_ =	shalt  }
0x5b: {  	_ =	shalt  }
0x5c: {  	_ =	shalt  }
0x5d: {  	_ =	shalt  }
0x5e: {  	_ =	shalt  }
0x5f: {  	_ =	shalt  }
0x60: {  	_ =	shalt  }
0x61: {  	_ =	shalt  }
0x62: {  	_ =	shalt  }
0x63: {  	_ =	shalt  }
0x64: {  	_ =	shalt  }
0x65: {  	_ =	shalt  }
0x66: {  	_ =	shalt  }
0x67: {  	_ =	shalt  }
0x68: {  	_ =	shalt  }
0x69: {  	_ =	shalt  }
0x6a: {  	_ =	shalt  }
0x6b: {  	_ =	shalt  }
0x6c: {  	_ =	shalt  }
0x6d: {  	_ =	shalt  }
0x6e: {  	_ =	shalt  }
0x6f: {  	_ =	shalt  }
0x70: {  	_ =	shalt  }
0x71: {  	_ =	shalt  }
0x72: {  	_ =	shalt  }
0x73: {  	_ =	shalt  }
0x74: {  	_ =	shalt  }
0x75: {  	_ =	shalt  }
0x76: {  	_ =	shalt  }
0x77: {  	_ =	shalt  }
0x78: {  	_ =	shalt  }
0x79: {  	_ =	shalt  }
0x7a: {  	_ =	shalt  }
0x7b: {  	_ =	shalt  }
0x7c: {  	_ =	shalt  }
0x7d: {  	_ =	shalt  }
0x7e: {  	_ =	shalt  }
0x7f: {  	_ =	shalt  }
0x80: {  	_ =	shalt  }
0x81: {  	_ =	shalt  }
0x82: {  	_ =	shalt  }
0x83: {  	_ =	shalt  }
0x84: {  	_ =	shalt  }
0x85: {  	_ =	shalt  }
0x86: {  	_ =	shalt  }
0x87: {  	_ =	shalt  }
.Lfunc_end0:
.L_simem_size_0:
called_computation.6_lowered:
.L_overlay_start_0:
0x88: {  	s2 =	sld [smem:$0x3FD9]  }
0x89: {  	s3 =	sld [smem:$0x3FFE];
	_ =	sdelay $0x1  }
0x8a: {  	s1 =	srdreg.scid  }
0x8b: {  	s0 =	sand.u32 $0x1, s1  }
0x8c: {  	s17 =	sshll.u32 s0, $0xA;
	s2 =	sadd.s32 s3, s2  }
0x8d: {  	s2 =	sadd.s32 s2, s17  }
0x8e: {  	[smem:$0x3FC5] =	sst s2  }
0x8f: {  	_ = 	snop  }
0x90: {  	(tm) =	ssettm $0x1  }
0x91: {  	s18 =	sld [smem:$0x3FFB];
	_ =	sdelay $0x3  }
0x92: {  	_ =	strace s18  }
0x93: {  	s2 =	sld [smem:$0x3FFC];
	_ =	sdelay $0x3  }
0x94: {  	_ =	strace s2  }
0x95: {  	s2 =	sld [smem:$0x3FFD];
	_ =	sdelay $0x3  }
0x96: {  	_ =	strace s2  }
0x97: {  	_ =	strace $0x8FFFFFFF  }
0x98: {  	s19 =	sld [smem:$0x3FDB];
	_ =	sdelay $0x1  }
0x99: {  	s20 =	simm.s32 $_scs_section_size  }
0x9a: {  	s4 =	simm.s32 $_size__tile_overlayer_lowered;
	s5 =	simm.s32 $_tile_overlayer_lowered  }
0x9b: {  	s6 =	simm.s32 $0x1BFF;
	s21 =	sshll.u32 s5, $0x1;
	s3 =	sadd.s32 s20, s19  }
0x9c: {  	s22 =	simm.s32 $0x0;
	s4 =	sshll.u32 s4, $0x1;
	s5 =	sadd.s32 s21, s3  }
0x9d: {  	[timem:s22], [sflag:s6] =	dma.local [hbm:s5], s4  }
0x9e: {  	_ =	swait.ge [sflag:s6], s4  }
0x9f: {  	s4 =	ssub.s32 $0x0, s4;
	[sflag:s6] =	ssyncset.done $0x0  }
0xa0: {  	[sflag:s6] =	ssyncadd.s32 s4;
	_ =	sdelay $0x1  }
0xa1: {  	s23 =	simm.s32 $0x1B8B  }
0xa2: {  	_ =	swait.ge [sflag:s23], $0x1  }
0xa3: {  	[sflag:s23] =	ssyncset.done $0x0  }
0xa4: {  	[sflag:s23] =	ssyncadd.s32 $0xFFFFFFFF  }
0xa5: {  	s4 =	sld [smem:$0x0]  }
0xa6: {  	s5 =	sand.u32 $0xFFFFFFFE, s1  }
0xa7: {  	p0 =	sne.s32 s1, s5  }
0xa8: {  	s5 =	sshll.u32 @p0 s5, $0xE  }
0xa9: {  	s5 =	sadd.s32 @p0 $0x11B8D, s5;
	s6 =	sshll.u32 @p0 s4, $0x11  }
0xaa: {  	s5 =	sor.u32 @p0 s6, s5  }
0xab: {  	[sflag:s5] =	ssyncadd.remote.s32 @p0 $0x1;
	_ =	sdelay $0x1  }
0xac: {  	s5 =	simm.s32 @p0 $0x1B8D  }
0xad: {  	_ =	swait.eq @p0 [sflag:s5], $0x1  }
0xae: {  	[sflag:s5] =	ssyncadd.s32 @p0 $0xFFFFFFFF  }
0xaf: {  	s6 =	sshll.u32 @!p0 s1, $0xE  }
0xb0: {  	s6 =	sor.u32 @!p0 $0x4000, s6;
	s5 =	simm.s32 @!p0 $0x1B8D  }
0xb1: {  	s4 =	sshll.u32 @!p0 s4, $0x11;
	s6 =	sadd.s32 @!p0 $0x11B8D, s6;
	_ =	swait.eq @!p0 [sflag:s5], $0x1  }
0xb2: {  	s4 =	sor.u32 @!p0 s4, s6;
	[sflag:s5] =	ssyncadd.s32 @!p0 $0xFFFFFFFF  }
0xb3: {  	s25 =	simm.s32 $0x1B8E;
	s24 =	sld [smem:$0x3FFE];
	[sflag:s4] =	ssyncadd.remote.s32 @!p0 $0x1  }
0xb4: {  	s26 =	simm.s32 $execute0_lowered;
	[smem:$0x3FD2] =	sst s25  }
0xb5: {  	s5 =	sshll.u32 s26, $0x1;
	_ =	strace $0x80000055;
	[dreg:$0x1] =	wrdreg $0xFFFFFFFF  }
0xb6: {  	s28 =	simm.s32 $_size_execute0_lowered;
	s3 =	sadd.s32 s3, s5;
	[dreg:$0x0] =	wrdreg $0x0  }
0xb7: {  	s5 =	sshll.u32 s28, $0x1;
	[dreg:$0x2] =	wrdreg s3  }
0xb8: {  	[dreg:$0x3] =	wrdreg s5  }
0xb9: {  	[dreg:$0x4] =	wrdreg $0xC0  }
0xba: {  	_ =	task [dreg:s22], $0x5FFFF  }
0xbb: {  	[dreg:$0x1] =	wrdreg $0xFFFFFFFF  }
0xbc: {  	[dreg:$0x0] =	wrdreg $0x60  }
0xbd: {  	[dreg:$0x2] =	wrdreg s24  }
0xbe: {  	[dreg:$0x3] =	wrdreg $0xC  }
0xbf: {  	_ =	task.clear_ibuf [dreg:s22], $0x4FFFF;
	_ =	strace $0x90000055  }
0xc0: {  	s29 =	simm.s32 $0xC;
	_ =	strace $0x80000057  }
0xc1: {  	_ =	swait.ge [sflag:s29], $0x1  }
0xc2: {  	[sflag:s29] =	ssyncadd.s32 $0xFFFFFFFF  }
0xc3: {  	_ =	strace $0x90000057  }
0xc4: {  	_ =	sfence  }
0xc5: {  	s30 =	sld [smem:$0x0];
	_ =	sdelay $0x2  }
0xc6: {  	s31 =	sshll.u32 s1, $0xD;
	s1 =	sshrl.u32 s1, $0x2  }
0xc7: {  	s4 =	sand.u32 $0x4000, s31;
	s1 =	sadd.s32 s1, s30  }
0xc8: {  	s0 =	sor.u32 s4, s0;
	s1 =	sshll.u32 s1, $0x11  }
0xc9: {  	s0 =	sor.u32 s1, s0  }
0xca: {  	s0 =	sadd.s32 $0x8F2B, s0  }
0xcb: {  	[sflag:s0] =	ssyncadd.remote.s32 $0x1  }
0xcc: {  	_ =	sfence.sel $0xFFFF  }
0xcd: {  	[dreg:$0x0] =	wrdreg $0xFFFFFFFF;
	(pc) =	sbr.abs _section_cstart, $3  }
0xce: {  	[dreg:$0x1] =	wrdreg $0xFFFFFFFF  }
0xcf: {  	_ =	task.clear_ibuf [dreg:s22], $0x2FFFF;
	_ =	strace $0x9FFFFFFF  }
0xd0: {  	(tm) =	ssettm $0x7FFFFFFF  }
0xd1: {  	_ =	shalt  }
tec
execute0_lowered:
.L_overlay_start_1:
0x0: {  	(tag) =	ssettag $0x1  }
0x1: {  	s7 =	rddreg [dreg:$0x0]  }
0x2: {  	s0 =	rddreg [dreg:$0x1];
	_ =	strace $0x80000056  }
0x3: {  	s1 =	srdreg.scid;
	s4 =	simm.s32 $0x1;
	s9 =	simm.s32 $0x3  }
0x4: {  	s12 =	simm.s32 $0x0;
	s10 =	simm.s32 $0x0;
	s5 =	sshll.u32 s1, $0x4  }
.Ltmp0:
0x5: {  	s1 =	stileid.u32;
	s5 =	sand.u32 $0x10, s5;
	(pc) =	sbr.rel .LBB2_1-.Ltmp0, $4  }
0x6: {  	s2 =	sadd.s32 $0x200, s7;
	s3 =	sadd.s32 $0x31D600, s7;
	s6 =	sor.u32 s1, s5  }
0x7: {  	[sflag:s4] =	ssyncpa.u1 $0x0;
	s5 =	simm.s32 $0x2;
	s6 =	sshll.u32 s6, $0x7  }
0x8: {  	s7 =	sadd.s32 $0x10200, s7;
	[sflag:s5] =	ssyncpa.u1 $0x0;
	s8 =	sadd.s32 $0x80, s6  }
0x9: {  	vm0 =	vmmov $0xff;
	vm1 =	vcmask $0x3F20;
	[sflag:s9] =	ssyncpa.u1 $0x0;
	s9 =	simm.s32 $0x80;
	s11 =	smov.u32 s6  }
.LBB2_9:
0xa: {  	p0 =	seq.s32 s10, $0x2  }
.Ltmp1:
0xb: {  	_ = 	snop;
	(pc) =	sbr.rel @p0 .LBB2_11-.Ltmp1, $1  }
0xc: {  	_ =	sdelay $0x3  }
.LBB2_10:
0xd: {  	s12 =	sadd.s32 $0x80, s11  }
0xe: {  	s13 =	smov.u32 s6;
	p0 =	slt.s32 s12, s8  }
0xf: {  	s13 =	smov.u32 @p0 s12  }
0x10: {  	s10 =	sadd.s32 $0x1, s10;
	s12 =	smov.u32 s11;
	s11 =	smov.u32 s13  }
.LBB2_1:
0x11: {  	p0 =	sne.s32 s10, $0x0  }
.Ltmp2:
0x12: {  	_ = 	snop;
	(pc) =	sbr.rel @!p0 .LBB2_2-.Ltmp2, $1  }
0x13: {  	_ =	sdelay $0x3  }
0x14: {  	s13 =	sand.u32 $0x1, s10  }
0x15: {  	p0 =	seq.s32 s13, $0x0  }
.Ltmp3:
0x16: {  	_ = 	snop;
	(pc) =	sbr.rel @p0 .LBB2_9-.Ltmp3, $1  }
0x17: {  	_ =	sdelay $0x3  }
0x18: {  	_ =	swait.ge [sflag:s5], $0x80  }
0x19: {  	[sflag:s5] =	ssyncset.done $0x0  }
0x1a: {  	s13 =	simm.s32 $0x0;
	[sflag:s5] =	ssyncadd.s32 $0xFFFFFF80  }
0x1b: {  	v0 =	vld.msk [tilespmem:s13+$0x80 ss:$0x1], $0xffff;
	_ =	sdelay $0x4  }
0x1c: {  	v1 =	vshll.u32 v0, $0x6  }
0x1d: {  	vm2 =	veq.s32 v0, $0x80000000;
	v0 =	vshll.u32 v0, $0x12;
	v1 =	vand.u32 $0x3FF80, v1  }
0x1e: {  	v0 =	vand.u32 $0x40000, v0;
	v1 =	vsel vm2, $0xFFFFFF80, v1  }
0x1f: {  	v0 =	vsel vm2, $0xFFFC0000, v0;
	v2 =	vand.u32 $0xFFFFFC00, v1  }
0x20: {  	v1 =	vand.u32 $0x380, v1;
	v0 =	vadd.s32 v0, v2  }
0x21: {  	v0 =	vor.u32 v1, v0  }
0x22: {  	v0 =	vshrl.u32 v0, $0x3;
	_ =	sdelay $0x3  }
0x23: {  	s13 =	simm.s32 $0x4100  }
0x24: {  	[tilespmem:s13], [sflag:$0x1] =	stream.indirect_vreg.gather [hbm:s2], $0x80, v0, vm0, $0x38;
	[tilespmem:$0x8100] =	vst v63  }
0x25: {  	s14 =	simm.s32 $0x4500;
	s31 =	simm.s32 $0x10  }
0x26: {  	[tilespmem:s14], [sflag:$0x1] =	stream.indirect_vreg.gather [hbm:s2], $0x80, v0, vm1, $0x38;
	[tilespmem:$0x8100] =	vst v63  }
0x27: {  	s14 =	simm.s32 $0x80;
	v0 =	vld.msk [tilespmem:s31+$0x80 ss:$0x1], $0xffff  }
.LBB2_5:
0x28: {  	p0 =	sne.s32 s14, $0x1C0;
	_ =	sdelay $0x4  }
0x29: {  	v1 =	vshll.u32 v0, $0x6  }
0x2a: {  	vm2 =	veq.s32 v0, $0x80000000;
	v0 =	vshll.u32 v0, $0x12;
	v1 =	vand.u32 $0x3FF80, v1  }
0x2b: {  	v0 =	vand.u32 $0x40000, v0;
	v1 =	vsel vm2, $0xFFFFFF80, v1  }
0x2c: {  	v0 =	vsel vm2, $0xFFFC0000, v0;
	v2 =	vand.u32 $0xFFFFFC00, v1  }
0x2d: {  	v1 =	vand.u32 $0x380, v1;
	v0 =	vadd.s32 v0, v2  }
0x2e: {  	v0 =	vor.u32 v1, v0  }
0x2f: {  	v0 =	vshrl.u32 v0, $0x3;
	_ =	sdelay $0x3  }
.Ltmp4:
0x30: {  	s13 =	sadd.s32 $0x800, s13;
	(pc) =	sbr.rel @p0 .LBB2_5-.Ltmp4, $4  }
0x31: {  	[tilespmem:s13], [sflag:$0x1] =	stream.indirect_vreg.gather [hbm:s2], $0x80, v0, vm0, $0x38;
	[tilespmem:$0x8100] =	vst v63  }
0x32: {  	s15 =	sshra.s32 s14, $0x2;
	s16 =	sadd.s32 $0x400, s13  }
0x33: {  	[tilespmem:s16], [sflag:$0x1] =	stream.indirect_vreg.gather [hbm:s2], $0x80, v0, vm1, $0x38;
	[tilespmem:$0x8100] =	vst v63  }
0x34: {  	s14 =	sadd.s32 $0x40, s14;
	v0 =	vld.msk [tilespmem:s15+$0x80 ss:$0x1], $0xffff  }
0x35: {  	_ =	sdelay $0x3  }
0x36: {  	v1 =	vshll.u32 v0, $0x6  }
0x37: {  	vm2 =	veq.s32 v0, $0x80000000;
	v63 =	vshll.u32 v0, $0x12;
	v1 =	vand.u32 $0x3FF80, v1  }
0x38: {  	v0 =	vand.u32 $0x40000, v63;
	v1 =	vsel vm2, $0xFFFFFF80, v1  }
0x39: {  	v0 =	vsel vm2, $0xFFFC0000, v0;
	v2 =	vand.u32 $0xFFFFFC00, v1  }
0x3a: {  	v1 =	vand.u32 $0x380, v1;
	v0 =	vadd.s32 v0, v2  }
0x3b: {  	v0 =	vor.u32 v1, v0  }
0x3c: {  	v0 =	vshrl.u32 v0, $0x3;
	_ =	sdelay $0x3  }
0x3d: {  	s13 =	sadd.s32 $0x800, s13  }
0x3e: {  	[tilespmem:s13], [sflag:$0x1] =	stream.indirect_vreg.gather [hbm:s2], $0x80, v0, vm0, $0x38;
	[tilespmem:$0x8100] =	vst v63  }
0x3f: {  	s13 =	sadd.s32 $0x400, s13  }
0x40: {  	[tilespmem:s13], [sflag:$0x1] =	stream.indirect_vreg.gather [hbm:s2], $0x80, v0, vm1, $0x38;
	[tilespmem:$0x8100] =	vst v63  }
0x41: {  	s12 =	sshll.u32 s12, $0x4;
	s14 =	simm.s32 $0x80;
	_ =	swait.ge [sflag:s4], $0x4000  }
0x42: {  	s15 =	simm.s32 $0x4500;
	s12 =	sadd.s32 s12, s7;
	[sflag:s4] =	ssyncset.done $0x0  }
0x43: {  	s16 =	sadd.s32 $0x0, s12;
	s13 =	simm.s32 $0x4100;
	[sflag:s4] =	ssyncadd.s32 $0xFFFFC000  }
.LBB2_7:
0x44: {  	[hbm:s16] =	stream.linear.scatter [tilespmem:s13], [sflag:$0x3], $0x400, $0x38;
	[tilespmem:$0x8100] =	vst v63  }
0x45: {  	s16 =	smov.u32 s14;
	s13 =	smov.u32 s15;
	p0 =	sne.s32 s14, $0x780  }
.Ltmp5:
0x46: {  	s14 =	sadd.s32 $0x80, s14;
	(pc) =	sbr.rel @p0 .LBB2_7-.Ltmp5, $2  }
0x47: {  	_ =	sdelay $0x2  }
0x48: {  	s15 =	sadd.s32 $0x400, s15;
	s16 =	sadd.s32 s16, s12  }
.Ltmp6:
0x49: {  	(pc) =	sbr.rel .LBB2_9-.Ltmp6, $2  }
0x4a: {  	_ =	sdelay $0x2  }
0x4b: {  	[hbm:s16] =	stream.linear.scatter [tilespmem:s13], [sflag:$0x3], $0x400, $0x38;
	[tilespmem:$0x8100] =	vst v63  }
.LBB2_2:
.Ltmp7:
0x4c: {  	(pc) =	sbr.rel .LBB2_10-.Ltmp7, $4  }
0x4d: {  	_ = 	snop  }
0x4e: {  	s12 =	sshrl.u32 s11, $0x3  }
0x4f: {  	s13 =	sand.u32 $0x7, s11;
	s12 =	sadd.s32 s3, s12  }
0x50: {  	[tilespmem:s9], [sflag:$0x2] =	stream.linear.gather [hbm4b:s12+s13], $0x80, $0x38;
	[tilespmem:$0x8100] =	vst v63  }
.LBB2_11:
0x51: {  	s2 =	simm.s32 $0x3  }
0x52: {  	_ =	swait.ge [sflag:s2], $0x4000  }
0x53: {  	[sflag:s2] =	ssyncset.done $0x0  }
0x54: {  	[sflag:s2] =	ssyncadd.s32 $0xFFFFC000  }
0x55: {  	_ =	sfence.sel $0x180000  }
0x56: {  	s3 =	simm.s32 $0x2;
	[bflag:$0x0] =	sbarrier.arrive $0xFFFF  }
0x57: {  	[sflag:s3] =	ssyncpa.u1 $0x1  }
0x58: {  	s31 =	simm.s32 $0x1;
	[sflag:s2] =	ssyncpa.u1 $0x1  }
0x59: {  	[sflag:s31] =	ssyncpa.u1 $0x1  }
0x5a: {  	p0 =	sne.s32 s1, $0x0;
	_ =	strace $0x90000056  }
0x5b: {  	s0 =	sadd.s32 @!p0 $0x100000, s0;
	[bflag:$0x2] =	sbarrier.arrive $0xFFFF  }
0x5c: {  	[sflag:s0] =	ssyncadd.tile.s32 @!p0 $0x1;
	_ =	shalt  }
.Lfunc_end2:
_tile_overlayer_lowered:
.L_overlay_start_2:
0x5d: {  	(tag) =	ssettag $0x2  }
0x5e: {  	s0 =	rddreg [dreg:$0x0];
	s2 =	stileid.u32  }
0x5f: {  	s1 =	rddreg [dreg:$0x1];
	p0 =	sne.s32 s2, $0x0  }
0x60: {  	s3 =	rddreg [dreg:$0x2];
	[bflag:$0x3] =	sbarrier.arrive $0xFFFF;
	s2 =	simm.s32 @!p0 $0x1C01  }
0x61: {  	[timem:s3], [sflag:s2] =	dma.local @!p0 [hbm:s0], s1  }
0x62: {  	s0 =	simm.s32 @!p0 $0x1  }
0x63: {  	_ =	swait.ge @!p0 [sflag:s0], s1  }
0x64: {  	s1 =	ssub.s32 @!p0 $0x0, s1;
	[sflag:s0] =	ssyncset.done @!p0 $0x0  }
0x65: {  	[sflag:s0] =	ssyncadd.s32 @!p0 s1  }
0x66: {  	[bflag:$0x3] =	sbarrier.arrive $0xFFFF  }
0x67: {  	_ =	shalt  }

// kernel: gather_offload_async_start
scs
__scs_entry_jumppad:
0x0: {  	(pc) =	sbr.rel $0x88, $3  }
0x1: {  	(tag) =	ssettag $0x0;
	lr =	simm.s32 $0x1  }
0x2: {  	[smem:$0x3F9E] =	sst lr;
	_ =	strace $0xD0000000  }
0x3: {  	_ = 	snop  }
0x4: {  	_ = 	snop  }
0x5: {  	_ = 	snop  }
0x6: {  	_ = 	snop  }
0x7: {  	_ = 	snop  }
__scs_overlays_trampoline_lowered:
0x8: {  	[smem:$0x3FAD] =	sst s0  }
0x9: {  	[smem:$0x3FAE] =	sst s1  }
0xa: {  	[smem:$0x3FAF] =	sst s2  }
0xb: {  	[smem:$0x3FB0] =	sst s3  }
0xc: {  	[smem:$0x3FB1] =	sst s4  }
0xd: {  	[smem:$0x3FB2] =	sst s5  }
0xe: {  	[smem:$0x3FB3] =	sst s6  }
0xf: {  	[smem:$0x3FB4] =	sst s7  }
0x10: {  	[smem:$0x3FB5] =	sst s8  }
0x11: {  	[smem:$0x3FB6] =	sst s9;
	s0 =	simm.s32 @!p0 $0x0  }
0x12: {  	s1 =	sld [smem:$0x3F9C];
	s0 =	simm.s32 @p0 $0x1  }
0x13: {  	[smem:$0x3FB7] =	sst s0;
	s0 =	simm.s32 @!p1 $0x0  }
0x14: {  	s2 =	sld [smem:$0x3F9B];
	s0 =	simm.s32 @p1 $0x1  }
0x15: {  	[smem:$0x3FB8] =	sst s0;
	s0 =	simm.s32 @!p2 $0x0  }
0x16: {  	s3 =	sld [smem:$0x3FDB];
	s0 =	simm.s32 @p2 $0x1  }
0x17: {  	s4 =	simm.s32 $0x1BF5;
	[smem:$0x3FBA] =	sst s0  }
0x18: {  	s0 =	sld [smem:$0x3F9D];
	_ =	swait.ge [sflag:s4], $0x0  }
0x19: {  	s7 =	sld [smem:$0x3F9E]  }
0x1a: {  	s8 =	sadd.s32 $0xFFFFE003, lr  }
0x1b: {  	s9 =	sadd.s32 $0xFFFFFEF7, lr;
	s5 =	simm.s32 $0xFFFFFFFF;
	p2 =	slt.u32 s8, $0xFFFFF086  }
0x1c: {  	p1 =	slt.u32 s9, $0xF7A;
	s5 =	simm.s32 @!p2 $0x0  }
0x1d: {  	s5 =	simm.s32 @p1 $0x1;
	p0 =	seq.s32 s7, s2  }
0x1e: {  	s7 =	smul.u32 @!p0 $0xF7A, s2;
	p2 =	seq.s32 @!p0 s5, $0x0  }
0x1f: {  	s9 =	smul.u32 $0xF7A, s1;
	s8 =	simm.s32 @!p0 $0x1BF5;
	p2 =	por !p2, p0  }
0x20: {  	[sflag:s8] =	ssyncset.s32 @!p0 $0xFFFFF086;
	s6 =	sadd.s32 @!p0 s3, s7;
	s7 =	simm.s32 @!p0 $0x108  }
0x21: {  	s3 =	sadd.s32 s3, s9;
	s6 =	sadd.s32 @!p0 $0x88, s6;
	s7 =	simm.s32 @p2 $0x1082  }
0x22: {  	[simem:s7], [sflag:s8] =	dma.local @!p0 [hbm:s6], $0xF7A  }
0x23: {  	s9 =	sor.u32 $0xD0000000, s2;
	s6 =	simm.s32 $0x108;
	_ =	swait.ge @!p0 [sflag:s8], $0x0  }
0x24: {  	s3 =	sadd.s32 $0x88, s3;
	s6 =	simm.s32 @!p1 $0x1082;
	[sflag:s4] =	ssyncset.s32 $0xFFFFF086  }
0x25: {  	[simem:s6], [sflag:s4] =	dma.local [hbm:s3], $0xF7A  }
0x26: {  	[smem:$0x3F9E] =	sst s1;
	(tag) =	ssettag s2;
	_ =	strace s9  }
0x27: {  	s1 =	sld [smem:$0x3FAE]  }
0x28: {  	s2 =	sld [smem:$0x3FAF]  }
0x29: {  	s4 =	sld [smem:$0x3FB1]  }
0x2a: {  	p0 =	seq.s32 s5, $0x0;
	s5 =	sld [smem:$0x3FB2]  }
0x2b: {  	s6 =	sld [smem:$0x3FB3]  }
0x2c: {  	s7 =	sld [smem:$0x3FB4]  }
0x2d: {  	s3 =	simm.s32 $0x108;
	s8 =	sld [smem:$0x3FB5]  }
0x2e: {  	s3 =	simm.s32 @!p0 $0x1082;
	s9 =	sld [smem:$0x3FB6]  }
0x2f: {  	lr =	sadd.s32 s0, s3;
	s0 =	sld [smem:$0x3FAD]  }
0x30: {  	s3 =	sld [smem:$0x3FB0]  }
0x31: {  	[smem:$0x3FB9] =	sst s10  }
0x32: {  	s10 =	sld [smem:$0x3FB7];
	_ =	sdelay $0x3  }
0x33: {  	p0 =	seq.s32 s10, $0x1;
	s10 =	sld [smem:$0x3FB9];
	_ =	sdelay $0x3  }
0x34: {  	[smem:$0x3FB9] =	sst s10  }
0x35: {  	s10 =	sld [smem:$0x3FB8];
	_ =	sdelay $0x3  }
0x36: {  	p1 =	seq.s32 s10, $0x1;
	s10 =	sld [smem:$0x3FB9];
	_ =	sdelay $0x3  }
0x37: {  	[smem:$0x3FB9] =	sst s10  }
0x38: {  	s10 =	sld [smem:$0x3FBA]  }
0x39: {  	_ = 	snop;
	(pc) =	sbr.ind lr, $3  }
0x3a: {  	_ = 	snop  }
0x3b: {  	_ = 	snop  }
0x3c: {  	p2 =	seq.s32 s10, $0x1;
	s10 =	sld [smem:$0x3FB9]  }
0x3d: {  	_ =	shalt  }
0x3e: {  	_ =	shalt  }
0x3f: {  	_ =	shalt  }
0x40: {  	_ =	shalt  }
0x41: {  	_ =	shalt  }
0x42: {  	_ =	shalt  }
0x43: {  	_ =	shalt  }
0x44: {  	_ =	shalt  }
0x45: {  	_ =	shalt  }
0x46: {  	_ =	shalt  }
0x47: {  	_ =	shalt  }
0x48: {  	_ =	shalt  }
0x49: {  	_ =	shalt  }
0x4a: {  	_ =	shalt  }
0x4b: {  	_ =	shalt  }
0x4c: {  	_ =	shalt  }
0x4d: {  	_ =	shalt  }
0x4e: {  	_ =	shalt  }
0x4f: {  	_ =	shalt  }
0x50: {  	_ =	shalt  }
0x51: {  	_ =	shalt  }
0x52: {  	_ =	shalt  }
0x53: {  	_ =	shalt  }
0x54: {  	_ =	shalt  }
0x55: {  	_ =	shalt  }
0x56: {  	_ =	shalt  }
0x57: {  	_ =	shalt  }
0x58: {  	_ =	shalt  }
0x59: {  	_ =	shalt  }
0x5a: {  	_ =	shalt  }
0x5b: {  	_ =	shalt  }
0x5c: {  	_ =	shalt  }
0x5d: {  	_ =	shalt  }
0x5e: {  	_ =	shalt  }
0x5f: {  	_ =	shalt  }
0x60: {  	_ =	shalt  }
0x61: {  	_ =	shalt  }
0x62: {  	_ =	shalt  }
0x63: {  	_ =	shalt  }
0x64: {  	_ =	shalt  }
0x65: {  	_ =	shalt  }
0x66: {  	_ =	shalt  }
0x67: {  	_ =	shalt  }
0x68: {  	_ =	shalt  }
0x69: {  	_ =	shalt  }
0x6a: {  	_ =	shalt  }
0x6b: {  	_ =	shalt  }
0x6c: {  	_ =	shalt  }
0x6d: {  	_ =	shalt  }
0x6e: {  	_ =	shalt  }
0x6f: {  	_ =	shalt  }
0x70: {  	_ =	shalt  }
0x71: {  	_ =	shalt  }
0x72: {  	_ =	shalt  }
0x73: {  	_ =	shalt  }
0x74: {  	_ =	shalt  }
0x75: {  	_ =	shalt  }
0x76: {  	_ =	shalt  }
0x77: {  	_ =	shalt  }
0x78: {  	_ =	shalt  }
0x79: {  	_ =	shalt  }
0x7a: {  	_ =	shalt  }
0x7b: {  	_ =	shalt  }
0x7c: {  	_ =	shalt  }
0x7d: {  	_ =	shalt  }
0x7e: {  	_ =	shalt  }
0x7f: {  	_ =	shalt  }
0x80: {  	_ =	shalt  }
0x81: {  	_ =	shalt  }
0x82: {  	_ =	shalt  }
0x83: {  	_ =	shalt  }
0x84: {  	_ =	shalt  }
0x85: {  	_ =	shalt  }
0x86: {  	_ =	shalt  }
0x87: {  	_ =	shalt  }
.Lfunc_end0:
.L_simem_size_0:
called_computation_lowered:
.L_overlay_start_0:
0x88: {  	s2 =	sld [smem:$0x3FD9]  }
0x89: {  	s3 =	sld [smem:$0x3FFE];
	_ =	sdelay $0x1  }
0x8a: {  	s1 =	srdreg.scid  }
0x8b: {  	s0 =	sand.u32 $0x1, s1  }
0x8c: {  	s17 =	sshll.u32 s0, $0xA;
	s2 =	sadd.s32 s3, s2  }
0x8d: {  	s2 =	sadd.s32 s2, s17  }
0x8e: {  	[smem:$0x3FC5] =	sst s2  }
0x8f: {  	_ = 	snop  }
0x90: {  	s2 =	sld [smem:$0x3FC9];
	(tm) =	ssettm $0x1  }
0x91: {  	s18 =	sld [smem:$0x3FFB];
	_ =	sdelay $0x3  }
0x92: {  	_ =	strace s18  }
0x93: {  	s3 =	sld [smem:$0x3FFC];
	_ =	sdelay $0x3  }
0x94: {  	_ =	strace s3  }
0x95: {  	s3 =	sld [smem:$0x3FFD];
	_ =	sdelay $0x3  }
0x96: {  	_ =	strace s3  }
0x97: {  	_ =	strace $0x8FFFFFFF  }
0x98: {  	s19 =	sld [smem:$0x3FDB];
	_ =	sdelay $0x1  }
0x99: {  	s4 =	simm.s32 $_scs_section_size  }
0x9a: {  	s5 =	simm.s32 $_size__tile_overlayer_lowered;
	s6 =	simm.s32 $_tile_overlayer_lowered  }
0x9b: {  	s22 =	simm.s32 $0x1BFF;
	s21 =	sshll.u32 s6, $0x1;
	s3 =	sadd.s32 s4, s19  }
0x9c: {  	s7 =	simm.s32 $0x0;
	s20 =	sshll.u32 s5, $0x1;
	s5 =	sadd.s32 s21, s3  }
0x9d: {  	[timem:s7], [sflag:s22] =	dma.local [hbm:s5], s20  }
0x9e: {  	_ =	swait.ge [sflag:s22], s20  }
0x9f: {  	s4 =	ssub.s32 $0x0, s20;
	[sflag:s22] =	ssyncset.done $0x0  }
0xa0: {  	[sflag:s22] =	ssyncadd.s32 s4;
	_ =	sdelay $0x1  }
0xa1: {  	s23 =	simm.s32 $0x1B8B  }
0xa2: {  	_ =	swait.ge [sflag:s23], $0x1  }
0xa3: {  	[sflag:s23] =	ssyncset.done $0x0  }
0xa4: {  	s25 =	simm.s32 $0x1B8E;
	s24 =	sld [smem:$0x3FFE];
	[sflag:s23] =	ssyncadd.s32 $0xFFFFFFFF  }
0xa5: {  	s26 =	simm.s32 $execute0_lowered;
	[smem:$0x3FD2] =	sst s25  }
0xa6: {  	s5 =	sshll.u32 s26, $0x1;
	_ =	strace $0x80000046;
	[dreg:$0x1] =	wrdreg $0xFFFFFFFF  }
0xa7: {  	s28 =	simm.s32 $_size_execute0_lowered;
	s3 =	sadd.s32 s3, s5;
	[dreg:$0x0] =	wrdreg $0x0  }
0xa8: {  	s5 =	sshll.u32 s28, $0x1;
	[dreg:$0x2] =	wrdreg s3  }
0xa9: {  	[dreg:$0x3] =	wrdreg s5  }
0xaa: {  	[dreg:$0x4] =	wrdreg $0xC0  }
0xab: {  	_ =	task [dreg:s7], $0x5FFFF  }
0xac: {  	[dreg:$0x1] =	wrdreg $0xFFFFFFFF  }
0xad: {  	[dreg:$0x0] =	wrdreg $0x60  }
0xae: {  	[dreg:$0x2] =	wrdreg s2  }
0xaf: {  	[dreg:$0x3] =	wrdreg s24  }
0xb0: {  	[dreg:$0x4] =	wrdreg $0x9  }
0xb1: {  	_ =	task.clear_ibuf [dreg:s7], $0x5FFFF;
	_ =	strace $0x90000046  }
0xb2: {  	s29 =	simm.s32 $0x9;
	_ =	strace $0x80000048  }
0xb3: {  	_ =	swait.ge [sflag:s29], $0x1  }
0xb4: {  	[sflag:s29] =	ssyncadd.s32 $0xFFFFFFFF  }
0xb5: {  	_ =	strace $0x90000048  }
0xb6: {  	_ =	sfence  }
0xb7: {  	s30 =	sld [smem:$0x0];
	_ =	sdelay $0x2  }
0xb8: {  	s31 =	sshll.u32 s1, $0xD;
	s1 =	sshrl.u32 s1, $0x2  }
0xb9: {  	s3 =	sand.u32 $0x4000, s31;
	s1 =	sadd.s32 s1, s30  }
0xba: {  	s0 =	sor.u32 s3, s0;
	s1 =	sshll.u32 s1, $0x11  }
0xbb: {  	s0 =	sor.u32 s1, s0  }
0xbc: {  	s0 =	sadd.s32 $0x8F2B, s0  }
0xbd: {  	[sflag:s0] =	ssyncadd.remote.s32 $0x1  }
0xbe: {  	_ =	sfence.sel $0xFFFF  }
0xbf: {  	[dreg:$0x0] =	wrdreg $0xFFFFFFFF;
	(pc) =	sbr.abs _section_cstart, $3  }
0xc0: {  	[dreg:$0x1] =	wrdreg $0xFFFFFFFF  }
0xc1: {  	_ =	task.clear_ibuf [dreg:s7], $0x2FFFF;
	_ =	strace $0x9FFFFFFF  }
0xc2: {  	(tm) =	ssettm $0x7FFFFFFF  }
0xc3: {  	_ =	shalt  }
tec
execute0_lowered:
.L_overlay_start_1:
0x0: {  	(tag) =	ssettag $0x1  }
0x1: {  	s2 =	rddreg [dreg:$0x0]  }
0x2: {  	s0 =	stileid.u32;
	s1 =	srdreg.scid  }
0x3: {  	s3 =	rddreg [dreg:$0x1];
	s8 =	simm.s32 $0x1;
	s9 =	simm.s32 $0x3  }
0x4: {  	s10 =	simm.s32 $0x0;
	s4 =	sand.u32 $0x1, s1;
	s5 =	sshll.u32 s0, $0x1  }
0x5: {  	s13 =	simm.s32 $0x0;
	s12 =	simm.s32 $0x0;
	s6 =	sor.u32 s5, s4  }
0x6: {  	s1 =	rddreg [dreg:$0x2];
	_ =	strace $0x80000047;
	s4 =	smul.u32 $0x50, s6  }
0x7: {  	s5 =	simm.s32 $0x1;
	p0 =	slt.u32 s6, $0x13;
	s6 =	simm.s32 $0xA00  }
.Ltmp0:
0x8: {  	s6 =	simm.s32 @!p0 $0x0;
	s7 =	ssub.s32 $0xFA0, s4;
	(pc) =	sbr.rel .LBB2_1-.Ltmp0, $4  }
0x9: {  	s8 =	simm.s32 @!p0 $0x0;
	p0 =	sne.s32 s7, s6;
	s7 =	simm.s32 $0x1  }
0xa: {  	[sflag:s5] =	ssyncpa.u1 $0x0;
	s6 =	simm.s32 $0x2;
	s7 =	simm.s32 @!p0 $0x0  }
0xb: {  	s11 =	smov.u32 s4;
	[sflag:s6] =	ssyncpa.u1 $0x0;
	s7 =	sadd.s32 s8, s7  }
0xc: {  	vm0 =	vmmov $0xffff;
	s8 =	sadd.s32 $0x30D600, s3;
	[sflag:s9] =	ssyncpa.u1 $0x0;
	s9 =	sadd.s32 $0x1, s7  }
.LBB2_4:
0xd: {  	vm1 =	veq.s32 v4, $0x80000000;
	v56 =	vand.u32 $0x1, v4;
	v6 =	vand.u32 $0x3FFFF, v6  }
0xe: {  	v2 =	vor.u32 v2, v5;
	v59 =	vshrl.u32 v1, $0x1;
	v60 =	vand.u32 $0x1, v1  }
0xf: {  	v4 =	vsel vm1, $0xFFFFFFFF, v56;
	v6 =	vsel vm1, $0xFFFFFFFF, v6;
	v2 =	vor.u32 v3, v2  }
0x10: {  	vm1 =	veq.s32 v1, $0x80000000;
	v5 =	vand.u32 $0x3FFFF, v59;
	v7 =	vshrl.u32 v4, $0x1  }
0x11: {  	v57 =	vshll.u32 v6, $0x1;
	v4 =	vshll.u32 v4, $0x7;
	v1 =	vsel vm1, $0xFFFFFFFF, v60  }
0x12: {  	v5 =	vsel vm1, $0xFFFFFFFF, v5;
	v6 =	vand.u32 $0x7F, v6;
	v7 =	vmul.u32 $0x61B00, v7  }
0x13: {  	v58 =	vand.u32 $0xFFFFFF00, v57;
	v4 =	vand.u32 $0x80, v4;
	v61 =	vshrl.u32 v1, $0x1  }
0x14: {  	v62 =	vshll.u32 v5, $0x1;
	v3 =	vadd.s32 v7, v58;
	v7 =	vmul.u32 $0x61B00, v61  }
0x15: {  	v1 =	vshll.u32 v1, $0x7;
	v3 =	vor.u32 v4, v3;
	v4 =	vand.u32 $0xFFFFFF00, v62  }
0x16: {  	v1 =	vand.u32 $0x80, v1;
	v3 =	vor.u32 v6, v3;
	v4 =	vadd.s32 v7, v4  }
0x17: {  	[tilespmem:s16], [sflag:$0x1] =	stream.indirect_vreg.gather [hbm4b:s2+s10], $0x1, v0, vm0, $0x4038;
	v63 =	vand.u32 $0x7F, v5;
	v1 =	vor.u32 v1, v4;
	[tilespmem:$0x140] =	vst v63  }
0x18: {  	s15 =	sadd.s32 $0x10, s15;
	(ifvalue) =	ssetifvalue $0x7FFFFFFF;
	v0 =	vor.u32 v63, v1  }
0x19: {  	[tilespmem:s15], [sflag:$0x1] =	stream.indirect_vreg.gather [hbm4b:s2+s10], $0x1, v2, vm0, $0x4038;
	[tilespmem:$0x140] =	vst v63  }
0x1a: {  	s15 =	sadd.s32 $0x10, s15;
	(ifvalue) =	ssetifvalue $0x7FFFFFFF  }
0x1b: {  	[tilespmem:s15], [sflag:$0x1] =	stream.indirect_vreg.gather [hbm4b:s2+s10], $0x1, v3, vm0, $0x4038;
	[tilespmem:$0x140] =	vst v63  }
0x1c: {  	s15 =	sadd.s32 $0x10, s15;
	(ifvalue) =	ssetifvalue $0x7FFFFFFF  }
0x1d: {  	[tilespmem:s15], [sflag:$0x1] =	stream.indirect_vreg.gather [hbm4b:s2+s10], $0x1, v0, vm0, $0x4038;
	[tilespmem:$0x140] =	vst v63  }
0x1e: {  	_ =	swait.ge [sflag:s5], $0x50  }
0x1f: {  	s30 =	sshrl.u32 s13, $0x3;
	[sflag:s5] =	ssyncset.done $0x0  }
0x20: {  	s31 =	sand.u32 $0x7, s13;
	s15 =	sadd.s32 s8, s30;
	[sflag:s5] =	ssyncadd.s32 $0xFFFFFFB0  }
0x21: {  	[hbm4b:s15+s31] =	stream.linear.scatter [tilespmem:s14], [sflag:$0x3], $0x50, $0x38;
	[tilespmem:$0x140] =	vst v63  }
.LBB2_5:
0x22: {  	s15 =	sadd.s32 $0xA00, s11  }
0x23: {  	p1 =	sgt.s32 s15, $0xF9F  }
0x24: {  	s15 =	smov.u32 @p1 s4;
	p1 =	sne.s32 s12, s9  }
.Ltmp1:
0x25: {  	p0 =	slt.u32 s12, $0x2;
	(pc) =	sbr.rel @!p1 .LBB2_6-.Ltmp1, $4  }
0x26: {  	s14 =	simm.s32 @!p0 $0x3  }
0x27: {  	_ =	swait.ge @!p0 [sflag:s14], $0x50  }
0x28: {  	s16 =	sadd.s32 $0x1, s12;
	s13 =	smov.u32 s11;
	[sflag:s14] =	ssyncset.done @!p0 $0x0  }
0x29: {  	s12 =	smov.u32 s16;
	s11 =	smov.u32 s15;
	[sflag:s14] =	ssyncadd.s32 @!p0 $0xFFFFFFB0  }
.LBB2_1:
0x2a: {  	p0 =	sge.u32 s12, s7  }
0x2b: {  	s14 =	sxor.u32 @!p0 $0x1, s12  }
0x2c: {  	s14 =	smul.u32 @!p0 $0x140, s14  }
0x2d: {  	s31 =	sadd.s32 $0xFFFFFFFF, s12;
	s15 =	sshrl.u32 @!p0 s11, $0x3  }
0x2e: {  	s16 =	sand.u32 @!p0 $0x7, s11;
	s15 =	sadd.s32 @!p0 s3, s15;
	s14 =	sshra.s32 @!p0 s14, $0x2  }
0x2f: {  	[tilespmem:s14], [sflag:$0x2] =	stream.linear.gather @!p0 [hbm4b:s15+s16], $0x50, $0x38;
	[tilespmem:$0x140] =	vst v63  }
0x30: {  	p0 =	sge.u32 s31, s7  }
.Ltmp2:
0x31: {  	_ = 	snop;
	(pc) =	sbr.rel @p0 .LBB2_5-.Ltmp2, $1  }
0x32: {  	_ =	sdelay $0x3  }
0x33: {  	s14 =	sand.u32 $0x1, s12  }
0x34: {  	_ =	swait.ge [sflag:s6], $0x50;
	p0 =	seq.s32 s14, $0x1;
	s14 =	simm.s32 $0x50  }
0x35: {  	[sflag:s6] =	ssyncset.done $0x0;
	s14 =	simm.s32 @!p0 $0x0  }
0x36: {  	[sflag:s6] =	ssyncadd.s32 $0xFFFFFFB0;
	(ifvalue) =	ssetifvalue $0x7FFFFFFF;
	v0 =	vld.msk [tilespmem:s14+$0x0 ss:$0x1], $0xffff  }
0x37: {  	s15 =	sadd.s32 $0x10, s14  }
0x38: {  	v1 =	vld.msk [tilespmem:s15+$0x0 ss:$0x1], $0xffff;
	_ =	sdelay $0x2  }
0x39: {  	v2 =	vshrl.u32 v0, $0x1  }
0x3a: {  	vm1 =	veq.s32 v0, $0x80000000;
	v0 =	vand.u32 $0x1, v0;
	v2 =	vand.u32 $0x3FFFF, v2  }
0x3b: {  	v0 =	vsel vm1, $0xFFFFFFFF, v0;
	v6 =	vshrl.u32 v1, $0x1;
	v2 =	vsel vm1, $0xFFFFFFFF, v2  }
0x3c: {  	v3 =	vshrl.u32 v0, $0x1;
	v0 =	vshll.u32 v0, $0x7;
	vm1 =	veq.s32 v1, $0x80000000  }
0x3d: {  	s15 =	sadd.s32 $0x10, s15;
	v1 =	vand.u32 $0x1, v1;
	v4 =	vshll.u32 v2, $0x1;
	v3 =	vmul.u32 $0x61B00, v3  }
0x3e: {  	v0 =	vand.u32 $0x80, v0;
	v7 =	vand.u32 $0x7F, v2;
	v5 =	vand.u32 $0xFFFFFF00, v4;
	v4 =	vld.msk [tilespmem:s15+$0x0 ss:$0x1], $0xffff  }
0x3f: {  	v1 =	vsel vm1, $0xFFFFFFFF, v1;
	v2 =	vadd.s32 v3, v5;
	v3 =	vand.u32 $0x3FFFF, v6  }
0x40: {  	v3 =	vsel vm1, $0xFFFFFFFF, v3;
	v0 =	vor.u32 v0, v2;
	v2 =	vshrl.u32 v1, $0x1  }
0x41: {  	v1 =	vshll.u32 v1, $0x7;
	v5 =	vshll.u32 v3, $0x1;
	v8 =	vmul.u32 $0x61B00, v2  }
0x42: {  	s18 =	simm.s32 $0x30;
	s14 =	sor.u32 $0xA0, s14;
	s17 =	sadd.s32 $0x10, s15;
	v2 =	vand.u32 $0x80, v1;
	v0 =	vor.u32 v7, v0;
	v5 =	vand.u32 $0xFFFFFF00, v5  }
0x43: {  	s16 =	smov.u32 s14;
	s15 =	smov.u32 s14;
	v1 =	vld.msk [tilespmem:s17+$0x0 ss:$0x1], $0xffff;
	v3 =	vand.u32 $0x7F, v3;
	(ifvalue) =	ssetifvalue $0x7FFFFFFF;
	v6 =	vshrl.u32 v4, $0x1;
	v5 =	vadd.s32 v8, v5  }
.LBB2_3:
0x44: {  	s18 =	sadd.s32 $0x10, s18  }
0x45: {  	vm1 =	veq.s32 v4, $0x80000000;
	v4 =	vand.u32 $0x1, v4;
	v6 =	vand.u32 $0x3FFFF, v6;
	s15 =	sadd.s32 $0x10, s15;
	p0 =	slt.u32 s18, $0x40  }
.Ltmp3:
0x46: {  	v5 =	vor.u32 v2, v5;
	v4 =	vsel vm1, $0xFFFFFFFF, v4;
	v7 =	vsel vm1, $0xFFFFFFFF, v6;
	(pc) =	sbr.rel @p0 .LBB2_3-.Ltmp3, $4  }
0x47: {  	v2 =	vshrl.u32 v4, $0x1;
	v6 =	vshll.u32 v7, $0x1;
	v4 =	vshll.u32 v4, $0x7;
	[tilespmem:s16], [sflag:$0x1] =	stream.indirect_vreg.gather [hbm4b:s2+s10], $0x1, v0, vm0, $0x4038;
	[tilespmem:$0x140] =	vst v63  }
0x48: {  	v0 =	vor.u32 v3, v5;
	s16 =	smov.u32 s15;
	v8 =	vmul.u32 $0x61B00, v2;
	v2 =	vand.u32 $0x80, v4  }
0x49: {  	s17 =	sadd.s32 $0x10, s17;
	v9 =	vand.u32 $0xFFFFFF00, v6  }
0x4a: {  	v3 =	vand.u32 $0x7F, v7;
	v6 =	vshrl.u32 v1, $0x1;
	v5 =	vadd.s32 v8, v9;
	(ifvalue) =	ssetifvalue $0x7FFFFFFF;
	v4 =	vmovc v1;
	v1 =	vld.msk [tilespmem:s17+$0x0 ss:$0x1], $0xffff  }
.Ltmp4:
0x4b: {  	_ = 	snop;
	(pc) =	sbr.rel .LBB2_4-.Ltmp4, $1  }
0x4c: {  	_ =	sdelay $0x3  }
.LBB2_6:
0x4d: {  	_ =	sfence.sel $0x180000  }
0x4e: {  	s2 =	simm.s32 $0x2;
	[bflag:$0x0] =	sbarrier.arrive $0xFFFF  }
0x4f: {  	s30 =	simm.s32 $0x3;
	[sflag:s2] =	ssyncpa.u1 $0x1  }
0x50: {  	s31 =	simm.s32 $0x1;
	[sflag:s30] =	ssyncpa.u1 $0x1  }
0x51: {  	[sflag:s31] =	ssyncpa.u1 $0x1  }
0x52: {  	p0 =	sne.s32 s0, $0x0;
	_ =	strace $0x90000047  }
0x53: {  	s0 =	sadd.s32 @!p0 $0x100000, s1;
	[bflag:$0x2] =	sbarrier.arrive $0xFFFF  }
0x54: {  	[sflag:s0] =	ssyncadd.tile.s32 @!p0 $0x1;
	_ =	shalt  }
.Lfunc_end2:
_tile_overlayer_lowered:
.L_overlay_start_2:
0x55: {  	(tag) =	ssettag $0x2  }
0x56: {  	s0 =	rddreg [dreg:$0x0];
	s2 =	stileid.u32  }
0x57: {  	s1 =	rddreg [dreg:$0x1];
	p0 =	sne.s32 s2, $0x0  }
0x58: {  	s3 =	rddreg [dreg:$0x2];
	[bflag:$0x3] =	sbarrier.arrive $0xFFFF;
	s2 =	simm.s32 @!p0 $0x1C01  }
0x59: {  	[timem:s3], [sflag:s2] =	dma.local @!p0 [hbm:s0], s1  }
0x5a: {  	s0 =	simm.s32 @!p0 $0x1  }
0x5b: {  	_ =	swait.ge @!p0 [sflag:s0], s1  }
0x5c: {  	s1 =	ssub.s32 @!p0 $0x0, s1;
	[sflag:s0] =	ssyncset.done @!p0 $0x0  }
0x5d: {  	[sflag:s0] =	ssyncadd.s32 @!p0 s1  }
0x5e: {  	[bflag:$0x3] =	sbarrier.arrive $0xFFFF  }
0x5f: {  	_ =	shalt  }

</sc_bundles>
